<compile_context>
chip_gen: v7x
topology: tpu7x:2x2x1
jax: 0.10.2.dev20260603
libtpu: 0.0.44.dev20260713+nightly
codegen_flags: <defaults>
</compile_context>

<pallas_src>
import functools

import jax
import jax.numpy as jnp
from jax import lax
from jax.experimental import pallas as pl
from jax.experimental.pallas import tpu as pltpu
from jax.experimental.pallas import tpu_sc as plsc

_D = 64
_STREAM = 128
_CHUNK = 512
_K = _CHUNK // _STREAM
_NW = 32
_NBUF = 3


@functools.partial(jax.jit, static_argnums=(2,))
def _gather(table, idx2d, n_total):
    per_w = n_total // _NW
    rows_per_w = per_w // _STREAM
    n_chunks = per_w // _CHUNK
    n_loop = (n_chunks - 5) // 3
    assert n_chunks >= 5 and (n_chunks - 5) % 3 == 0
    mesh = plsc.VectorSubcoreMesh(core_axis_name="c", subcore_axis_name="s")

    @functools.partial(
        pl.kernel,
        mesh=mesh,
        out_type=jax.ShapeDtypeStruct((n_total, _D), jnp.float32),
        scratch_types=[
            pltpu.VMEM((rows_per_w, _STREAM), jnp.int32),
            pltpu.VMEM((_CHUNK, _D), jnp.float32),
            pltpu.VMEM((_CHUNK, _D), jnp.float32),
            pltpu.VMEM((_CHUNK, _D), jnp.float32),
            pltpu.SemaphoreType.DMA,
            pltpu.SemaphoreType.DMA,
            pltpu.SemaphoreType.DMA,
            pltpu.SemaphoreType.DMA,
            pltpu.SemaphoreType.DMA,
            pltpu.SemaphoreType.DMA,
        ],
        compiler_params=pltpu.CompilerParams(use_tc_tiling_on_sc=False),
    )
    def k(table_hbm, idx_hbm, out_hbm, idx_v, rows0, rows1, rows2,
          semg0, semg1, semg2, semo0, semo1, semo2):
        wid = lax.axis_index("s") * 2 + lax.axis_index("c")
        row0 = wid * rows_per_w
        out0 = wid * per_w

        pltpu.sync_copy(idx_hbm.at[pl.ds(row0, rows_per_w)], idx_v)

        rows = (rows0, rows1, rows2)
        semg = (semg0, semg1, semg2)
        semo = (semo0, semo1, semo2)

        def fire_g(c, b):
            for j in range(_K):
                pltpu.make_async_copy(
                    table_hbm.at[idx_v.at[c * _K + j]],
                    rows[b].at[pl.ds(j * _STREAM, _STREAM)],
                    semg[b],
                ).start()

        def drain_g(b):
            for j in range(_K):
                pltpu.make_async_copy(
                    table_hbm.at[pl.ds(0, _STREAM)],
                    rows[b].at[pl.ds(j * _STREAM, _STREAM)],
                    semg[b],
                ).wait()

        def fire_w(c, b):
            pltpu.make_async_copy(
                rows[b], out_hbm.at[pl.ds(out0 + c * _CHUNK, _CHUNK)], semo[b]
            ).start()

        def wait_w(b):
            pltpu.make_async_copy(
                rows[b], out_hbm.at[pl.ds(out0, _CHUNK)], semo[b]
            ).wait()

        def steady(c, b):
            drain_g(b)
            fire_w(c, b)
            wait_w((b + 2) % _NBUF)
            fire_g(c + 2, (b + 2) % _NBUF)

        fire_g(0, 0)
        fire_g(1, 1)
        drain_g(0)
        fire_w(0, 0)
        fire_g(2, 2)

        def loop_body(i, carry):
            c0 = 3 * i + 1
            steady(c0, 1)
            steady(c0 + 1, 2)
            steady(c0 + 2, 0)
            return carry

        lax.fori_loop(0, n_loop, loop_body, 0)

        for c in range(3 * n_loop + 1, n_chunks - 2):
            steady(c, c % _NBUF)
        for c in range(n_chunks - 2, n_chunks):
            drain_g(c % _NBUF)
            fire_w(c, c % _NBUF)
            wait_w((c + 2) % _NBUF)
        wait_w((n_chunks - 1) % _NBUF)

    return k(table, idx2d)


def kernel(x, table):
    n_total = x.size
    idx2d = x.reshape(n_total // _STREAM, _STREAM).astype(jnp.int32)
    out = _gather(table, idx2d, n_total)
    return out.reshape(*x.shape, _D)

# --- scband reference (transcript-rebuilt; emitter-appended) ---
"""Pipeline reference for scband-regularized-embedding-12025908429119 (READ-ONLY COPY).

The authoritative reference and input builder live on the scoring server;
editing this copy changes nothing except your own understanding.
"""

import jax, jax.numpy as jnp
import numpy as np

NUM_EMBEDDINGS = 1000000
EMBEDDING_DIM = 64

def setup_inputs(seed: int = 0) -> dict:
    key = jax.random.key(seed)
    k_idx, k_tab = jax.random.split(key)
    x = jax.random.randint(k_idx, (4096, 200), 0, NUM_EMBEDDINGS, dtype=jnp.int64 if jax.config.jax_enable_x64 else jnp.int32)
    table = jax.random.normal(k_tab, (NUM_EMBEDDINGS, EMBEDDING_DIM), dtype=jnp.float32) * 0.02
    return {"x": x, "table": table}

def reference(x, table):
    # RegularizedEmbedding.forward in eval mode: pure embedding lookup
    # (training-time gaussian noise is disabled when self.training is False)
    return jnp.take(table, x, axis=0)

if __name__ == "__main__":
    import jax
    _d = setup_inputs()
    print(jax.jit(kernel)(*tuple(_d.values())))

</pallas_src>

<mosaic_0001>
#map = affine_map<(d0, d1) -> (0, 0)>
module attributes {stable_mosaic.version = 14 : i64} {
  func.func @k(%arg0: i32, %arg1: i32, %arg2: memref<1000000x64xf32, #tpu.memory_space<hbm>>, %arg3: memref<6400x128xi32, #tpu.memory_space<hbm>>, %arg4: memref<819200x64xf32, #tpu.memory_space<hbm>>, %arg5: memref<200x128xi32, #tpu.memory_space<vmem>>, %arg6: memref<512x64xf32, #tpu.memory_space<vmem>>, %arg7: memref<512x64xf32, #tpu.memory_space<vmem>>, %arg8: memref<512x64xf32, #tpu.memory_space<vmem>>, %arg9: memref<!tpu.dma_semaphore, #tpu.memory_space<semaphore_mem>>, %arg10: memref<!tpu.dma_semaphore, #tpu.memory_space<semaphore_mem>>, %arg11: memref<!tpu.dma_semaphore, #tpu.memory_space<semaphore_mem>>, %arg12: memref<!tpu.dma_semaphore, #tpu.memory_space<semaphore_mem>>, %arg13: memref<!tpu.dma_semaphore, #tpu.memory_space<semaphore_mem>>, %arg14: memref<!tpu.dma_semaphore, #tpu.memory_space<semaphore_mem>>) attributes {dimension_semantics = [#tpu.dimension_semantics<core_parallel>, #tpu.dimension_semantics<subcore_parallel>], iteration_bounds = array<i64: 2, 16>, scalar_prefetch = 0 : i64, scratch_operands = 10 : i64, tpu.core_type = #tpu.core_type<sc_vector_subcore>, window_params = [{transform_indices = #map}, {transform_indices = #map}, {transform_indices = #map}]} {
    %mul3A = arith.constant 2 : i32
    %mul3A_0 = arith.muli %arg1, %mul3A : i32
    %add3A = arith.addi %mul3A_0, %arg0 : i32
    %mul3A_1 = arith.constant 200 : i32
    %mul3A_2 = arith.muli %add3A, %mul3A_1 : i32
    %mul3A_3 = arith.constant 25600 : i32
    %mul3A_4 = arith.muli %add3A, %mul3A_3 : i32
    "tpu.region"() ({
      %run_scoped3A = tpu.sem_alloc : memref<!tpu.dma_semaphore, #tpu.memory_space<semaphore_mem>>
      %dma_start3A_498 = arith.constant 0 : i32
      %dma_start3A_499 = tpu.memref_slice %arg3[%mul3A_2, %dma_start3A_498] : memref<6400x128xi32, #tpu.memory_space<hbm>> -> memref<200x128xi32, #tpu.memory_space<hbm>>
      %dma_start3A_500 = arith.constant 0 : i32
      %dma_start3A_501 = tpu.memref_slice %arg3[%mul3A_2, %dma_start3A_500] : memref<6400x128xi32, #tpu.memory_space<hbm>> -> memref<200x128xi32, #tpu.memory_space<hbm>>
      tpu.enqueue_dma source(%dma_start3A_501 : memref<200x128xi32, #tpu.memory_space<hbm>>) target(%arg5 : memref<200x128xi32, #tpu.memory_space<vmem>>) target_semaphore(%run_scoped3A : memref<!tpu.dma_semaphore, #tpu.memory_space<semaphore_mem>>)
      %dma_wait3A_502 = arith.constant 0 : i32
      %dma_wait3A_503 = tpu.memref_slice %arg3[%mul3A_2, %dma_wait3A_502] : memref<6400x128xi32, #tpu.memory_space<hbm>> -> memref<200x128xi32, #tpu.memory_space<hbm>>
      %dma_wait3A_504 = arith.constant 0 : i32
      %dma_wait3A_505 = tpu.memref_slice %arg3[%mul3A_2, %dma_wait3A_504] : memref<6400x128xi32, #tpu.memory_space<hbm>> -> memref<200x128xi32, #tpu.memory_space<hbm>>
      tpu.wait_dma2 semaphore(%run_scoped3A : memref<!tpu.dma_semaphore, #tpu.memory_space<semaphore_mem>>) src(%dma_wait3A_505 : memref<200x128xi32, #tpu.memory_space<hbm>>) dst(%arg5 : memref<200x128xi32, #tpu.memory_space<vmem>>)
      tpu.yield
    }) : () -> ()
    %dma_start3A = arith.constant 0 : i32
    %dma_start3A_5 = arith.constant 0 : i32
    %dma_start3A_6 = arith.constant 0 : i32
    %dma_start3A_7 = tpu.memref_slice %arg6[%dma_start3A_5, %dma_start3A_6] : memref<512x64xf32, #tpu.memory_space<vmem>> -> memref<128x64xf32, #tpu.memory_space<vmem>>
    %dma_start3A_8 = arith.constant 0 : i32
    %dma_start3A_9 = tpu.memref_slice %arg5[%dma_start3A, %dma_start3A_8] : memref<200x128xi32, #tpu.memory_space<vmem>> -> memref<1x128xi32, #tpu.memory_space<vmem>>
    %dma_start3A_10 = tpu.memref_squeeze %dma_start3A_9 : memref<1x128xi32, #tpu.memory_space<vmem>> -> memref<128xi32, #tpu.memory_space<vmem>>
    %dma_start3A_11 = arith.constant 0 : i32
    %dma_start3A_12 = arith.constant 0 : i32
    %dma_start3A_13 = tpu.memref_slice %arg2[%dma_start3A_11, %dma_start3A_12] : memref<1000000x64xf32, #tpu.memory_space<hbm>> -> memref<1000000x64xf32, #tpu.memory_space<hbm>>
    tpu.enqueue_indirect_dma source(%dma_start3A_13 : memref<1000000x64xf32, #tpu.memory_space<hbm>>) target(%dma_start3A_7 : memref<128x64xf32, #tpu.memory_space<vmem>>) offsets(%dma_start3A_10 : memref<128xi32, #tpu.memory_space<vmem>>) semaphore(%arg9 : memref<!tpu.dma_semaphore, #tpu.memory_space<semaphore_mem>>)
    %dma_start3A_14 = arith.constant 1 : i32
    %dma_start3A_15 = arith.constant 128 : i32
    %dma_start3A_16 = arith.constant 0 : i32
    %dma_start3A_17 = tpu.memref_slice %arg6[%dma_start3A_15, %dma_start3A_16] : memref<512x64xf32, #tpu.memory_space<vmem>> -> memref<128x64xf32, #tpu.memory_space<vmem>>
    %dma_start3A_18 = arith.constant 0 : i32
    %dma_start3A_19 = tpu.memref_slice %arg5[%dma_start3A_14, %dma_start3A_18] : memref<200x128xi32, #tpu.memory_space<vmem>> -> memref<1x128xi32, #tpu.memory_space<vmem>>
    %dma_start3A_20 = tpu.memref_squeeze %dma_start3A_19 : memref<1x128xi32, #tpu.memory_space<vmem>> -> memref<128xi32, #tpu.memory_space<vmem>>
    %dma_start3A_21 = arith.constant 0 : i32
    %dma_start3A_22 = arith.constant 0 : i32
    %dma_start3A_23 = tpu.memref_slice %arg2[%dma_start3A_21, %dma_start3A_22] : memref<1000000x64xf32, #tpu.memory_space<hbm>> -> memref<1000000x64xf32, #tpu.memory_space<hbm>>
    tpu.enqueue_indirect_dma source(%dma_start3A_23 : memref<1000000x64xf32, #tpu.memory_space<hbm>>) target(%dma_start3A_17 : memref<128x64xf32, #tpu.memory_space<vmem>>) offsets(%dma_start3A_20 : memref<128xi32, #tpu.memory_space<vmem>>) semaphore(%arg9 : memref<!tpu.dma_semaphore, #tpu.memory_space<semaphore_mem>>)
    %dma_start3A_24 = arith.constant 2 : i32
    %dma_start3A_25 = arith.constant 256 : i32
    %dma_start3A_26 = arith.constant 0 : i32
    %dma_start3A_27 = tpu.memref_slice %arg6[%dma_start3A_25, %dma_start3A_26] : memref<512x64xf32, #tpu.memory_space<vmem>> -> memref<128x64xf32, #tpu.memory_space<vmem>>
    %dma_start3A_28 = arith.constant 0 : i32
    %dma_start3A_29 = tpu.memref_slice %arg5[%dma_start3A_24, %dma_start3A_28] : memref<200x128xi32, #tpu.memory_space<vmem>> -> memref<1x128xi32, #tpu.memory_space<vmem>>
    %dma_start3A_30 = tpu.memref_squeeze %dma_start3A_29 : memref<1x128xi32, #tpu.memory_space<vmem>> -> memref<128xi32, #tpu.memory_space<vmem>>
    %dma_start3A_31 = arith.constant 0 : i32
    %dma_start3A_32 = arith.constant 0 : i32
    %dma_start3A_33 = tpu.memref_slice %arg2[%dma_start3A_31, %dma_start3A_32] : memref<1000000x64xf32, #tpu.memory_space<hbm>> -> memref<1000000x64xf32, #tpu.memory_space<hbm>>
    tpu.enqueue_indirect_dma source(%dma_start3A_33 : memref<1000000x64xf32, #tpu.memory_space<hbm>>) target(%dma_start3A_27 : memref<128x64xf32, #tpu.memory_space<vmem>>) offsets(%dma_start3A_30 : memref<128xi32, #tpu.memory_space<vmem>>) semaphore(%arg9 : memref<!tpu.dma_semaphore, #tpu.memory_space<semaphore_mem>>)
    %dma_start3A_34 = arith.constant 3 : i32
    %dma_start3A_35 = arith.constant 384 : i32
    %dma_start3A_36 = arith.constant 0 : i32
    %dma_start3A_37 = tpu.memref_slice %arg6[%dma_start3A_35, %dma_start3A_36] : memref<512x64xf32, #tpu.memory_space<vmem>> -> memref<128x64xf32, #tpu.memory_space<vmem>>
    %dma_start3A_38 = arith.constant 0 : i32
    %dma_start3A_39 = tpu.memref_slice %arg5[%dma_start3A_34, %dma_start3A_38] : memref<200x128xi32, #tpu.memory_space<vmem>> -> memref<1x128xi32, #tpu.memory_space<vmem>>
    %dma_start3A_40 = tpu.memref_squeeze %dma_start3A_39 : memref<1x128xi32, #tpu.memory_space<vmem>> -> memref<128xi32, #tpu.memory_space<vmem>>
    %dma_start3A_41 = arith.constant 0 : i32
    %dma_start3A_42 = arith.constant 0 : i32
    %dma_start3A_43 = tpu.memref_slice %arg2[%dma_start3A_41, %dma_start3A_42] : memref<1000000x64xf32, #tpu.memory_space<hbm>> -> memref<1000000x64xf32, #tpu.memory_space<hbm>>
    tpu.enqueue_indirect_dma source(%dma_start3A_43 : memref<1000000x64xf32, #tpu.memory_space<hbm>>) target(%dma_start3A_37 : memref<128x64xf32, #tpu.memory_space<vmem>>) offsets(%dma_start3A_40 : memref<128xi32, #tpu.memory_space<vmem>>) semaphore(%arg9 : memref<!tpu.dma_semaphore, #tpu.memory_space<semaphore_mem>>)
    %dma_start3A_44 = arith.constant 4 : i32
    %dma_start3A_45 = arith.constant 0 : i32
    %dma_start3A_46 = arith.constant 0 : i32
    %dma_start3A_47 = tpu.memref_slice %arg7[%dma_start3A_45, %dma_start3A_46] : memref<512x64xf32, #tpu.memory_space<vmem>> -> memref<128x64xf32, #tpu.memory_space<vmem>>
    %dma_start3A_48 = arith.constant 0 : i32
    %dma_start3A_49 = tpu.memref_slice %arg5[%dma_start3A_44, %dma_start3A_48] : memref<200x128xi32, #tpu.memory_space<vmem>> -> memref<1x128xi32, #tpu.memory_space<vmem>>
    %dma_start3A_50 = tpu.memref_squeeze %dma_start3A_49 : memref<1x128xi32, #tpu.memory_space<vmem>> -> memref<128xi32, #tpu.memory_space<vmem>>
    %dma_start3A_51 = arith.constant 0 : i32
    %dma_start3A_52 = arith.constant 0 : i32
    %dma_start3A_53 = tpu.memref_slice %arg2[%dma_start3A_51, %dma_start3A_52] : memref<1000000x64xf32, #tpu.memory_space<hbm>> -> memref<1000000x64xf32, #tpu.memory_space<hbm>>
    tpu.enqueue_indirect_dma source(%dma_start3A_53 : memref<1000000x64xf32, #tpu.memory_space<hbm>>) target(%dma_start3A_47 : memref<128x64xf32, #tpu.memory_space<vmem>>) offsets(%dma_start3A_50 : memref<128xi32, #tpu.memory_space<vmem>>) semaphore(%arg10 : memref<!tpu.dma_semaphore, #tpu.memory_space<semaphore_mem>>)
    %dma_start3A_54 = arith.constant 5 : i32
    %dma_start3A_55 = arith.constant 128 : i32
    %dma_start3A_56 = arith.constant 0 : i32
    %dma_start3A_57 = tpu.memref_slice %arg7[%dma_start3A_55, %dma_start3A_56] : memref<512x64xf32, #tpu.memory_space<vmem>> -> memref<128x64xf32, #tpu.memory_space<vmem>>
    %dma_start3A_58 = arith.constant 0 : i32
    %dma_start3A_59 = tpu.memref_slice %arg5[%dma_start3A_54, %dma_start3A_58] : memref<200x128xi32, #tpu.memory_space<vmem>> -> memref<1x128xi32, #tpu.memory_space<vmem>>
    %dma_start3A_60 = tpu.memref_squeeze %dma_start3A_59 : memref<1x128xi32, #tpu.memory_space<vmem>> -> memref<128xi32, #tpu.memory_space<vmem>>
    %dma_start3A_61 = arith.constant 0 : i32
    %dma_start3A_62 = arith.constant 0 : i32
    %dma_start3A_63 = tpu.memref_slice %arg2[%dma_start3A_61, %dma_start3A_62] : memref<1000000x64xf32, #tpu.memory_space<hbm>> -> memref<1000000x64xf32, #tpu.memory_space<hbm>>
    tpu.enqueue_indirect_dma source(%dma_start3A_63 : memref<1000000x64xf32, #tpu.memory_space<hbm>>) target(%dma_start3A_57 : memref<128x64xf32, #tpu.memory_space<vmem>>) offsets(%dma_start3A_60 : memref<128xi32, #tpu.memory_space<vmem>>) semaphore(%arg10 : memref<!tpu.dma_semaphore, #tpu.memory_space<semaphore_mem>>)
    %dma_start3A_64 = arith.constant 6 : i32
    %dma_start3A_65 = arith.constant 256 : i32
    %dma_start3A_66 = arith.constant 0 : i32
    %dma_start3A_67 = tpu.memref_slice %arg7[%dma_start3A_65, %dma_start3A_66] : memref<512x64xf32, #tpu.memory_space<vmem>> -> memref<128x64xf32, #tpu.memory_space<vmem>>
    %dma_start3A_68 = arith.constant 0 : i32
    %dma_start3A_69 = tpu.memref_slice %arg5[%dma_start3A_64, %dma_start3A_68] : memref<200x128xi32, #tpu.memory_space<vmem>> -> memref<1x128xi32, #tpu.memory_space<vmem>>
    %dma_start3A_70 = tpu.memref_squeeze %dma_start3A_69 : memref<1x128xi32, #tpu.memory_space<vmem>> -> memref<128xi32, #tpu.memory_space<vmem>>
    %dma_start3A_71 = arith.constant 0 : i32
    %dma_start3A_72 = arith.constant 0 : i32
    %dma_start3A_73 = tpu.memref_slice %arg2[%dma_start3A_71, %dma_start3A_72] : memref<1000000x64xf32, #tpu.memory_space<hbm>> -> memref<1000000x64xf32, #tpu.memory_space<hbm>>
    tpu.enqueue_indirect_dma source(%dma_start3A_73 : memref<1000000x64xf32, #tpu.memory_space<hbm>>) target(%dma_start3A_67 : memref<128x64xf32, #tpu.memory_space<vmem>>) offsets(%dma_start3A_70 : memref<128xi32, #tpu.memory_space<vmem>>) semaphore(%arg10 : memref<!tpu.dma_semaphore, #tpu.memory_space<semaphore_mem>>)
    %dma_start3A_74 = arith.constant 7 : i32
    %dma_start3A_75 = arith.constant 384 : i32
    %dma_start3A_76 = arith.constant 0 : i32
    %dma_start3A_77 = tpu.memref_slice %arg7[%dma_start3A_75, %dma_start3A_76] : memref<512x64xf32, #tpu.memory_space<vmem>> -> memref<128x64xf32, #tpu.memory_space<vmem>>
    %dma_start3A_78 = arith.constant 0 : i32
    %dma_start3A_79 = tpu.memref_slice %arg5[%dma_start3A_74, %dma_start3A_78] : memref<200x128xi32, #tpu.memory_space<vmem>> -> memref<1x128xi32, #tpu.memory_space<vmem>>
    %dma_start3A_80 = tpu.memref_squeeze %dma_start3A_79 : memref<1x128xi32, #tpu.memory_space<vmem>> -> memref<128xi32, #tpu.memory_space<vmem>>
    %dma_start3A_81 = arith.constant 0 : i32
    %dma_start3A_82 = arith.constant 0 : i32
    %dma_start3A_83 = tpu.memref_slice %arg2[%dma_start3A_81, %dma_start3A_82] : memref<1000000x64xf32, #tpu.memory_space<hbm>> -> memref<1000000x64xf32, #tpu.memory_space<hbm>>
    tpu.enqueue_indirect_dma source(%dma_start3A_83 : memref<1000000x64xf32, #tpu.memory_space<hbm>>) target(%dma_start3A_77 : memref<128x64xf32, #tpu.memory_space<vmem>>) offsets(%dma_start3A_80 : memref<128xi32, #tpu.memory_space<vmem>>) semaphore(%arg10 : memref<!tpu.dma_semaphore, #tpu.memory_space<semaphore_mem>>)
    %dma_wait3A = arith.constant 0 : i32
    %dma_wait3A_84 = arith.constant 0 : i32
    %dma_wait3A_85 = tpu.memref_slice %arg6[%dma_wait3A, %dma_wait3A_84] : memref<512x64xf32, #tpu.memory_space<vmem>> -> memref<128x64xf32, #tpu.memory_space<vmem>>
    %dma_wait3A_86 = arith.constant 0 : i32
    %dma_wait3A_87 = arith.constant 0 : i32
    %dma_wait3A_88 = tpu.memref_slice %arg2[%dma_wait3A_86, %dma_wait3A_87] : memref<1000000x64xf32, #tpu.memory_space<hbm>> -> memref<128x64xf32, #tpu.memory_space<hbm>>
    %dma_wait3A_89 = arith.constant 0 : i32
    %dma_wait3A_90 = arith.constant 0 : i32
    %dma_wait3A_91 = tpu.memref_slice %arg6[%dma_wait3A_89, %dma_wait3A_90] : memref<512x64xf32, #tpu.memory_space<vmem>> -> memref<128x64xf32, #tpu.memory_space<vmem>>
    %dma_wait3A_92 = arith.constant 0 : i32
    %dma_wait3A_93 = arith.constant 0 : i32
    %dma_wait3A_94 = tpu.memref_slice %arg2[%dma_wait3A_92, %dma_wait3A_93] : memref<1000000x64xf32, #tpu.memory_space<hbm>> -> memref<128x64xf32, #tpu.memory_space<hbm>>
    tpu.wait_dma2 semaphore(%arg9 : memref<!tpu.dma_semaphore, #tpu.memory_space<semaphore_mem>>) src(%dma_wait3A_94 : memref<128x64xf32, #tpu.memory_space<hbm>>) dst(%dma_wait3A_91 : memref<128x64xf32, #tpu.memory_space<vmem>>)
    %dma_wait3A_95 = arith.constant 128 : i32
    %dma_wait3A_96 = arith.constant 0 : i32
    %dma_wait3A_97 = tpu.memref_slice %arg6[%dma_wait3A_95, %dma_wait3A_96] : memref<512x64xf32, #tpu.memory_space<vmem>> -> memref<128x64xf32, #tpu.memory_space<vmem>>
    %dma_wait3A_98 = arith.constant 0 : i32
    %dma_wait3A_99 = arith.constant 0 : i32
    %dma_wait3A_100 = tpu.memref_slice %arg2[%dma_wait3A_98, %dma_wait3A_99] : memref<1000000x64xf32, #tpu.memory_space<hbm>> -> memref<128x64xf32, #tpu.memory_space<hbm>>
    %dma_wait3A_101 = arith.constant 128 : i32
    %dma_wait3A_102 = arith.constant 0 : i32
    %dma_wait3A_103 = tpu.memref_slice %arg6[%dma_wait3A_101, %dma_wait3A_102] : memref<512x64xf32, #tpu.memory_space<vmem>> -> memref<128x64xf32, #tpu.memory_space<vmem>>
    %dma_wait3A_104 = arith.constant 0 : i32
    %dma_wait3A_105 = arith.constant 0 : i32
    %dma_wait3A_106 = tpu.memref_slice %arg2[%dma_wait3A_104, %dma_wait3A_105] : memref<1000000x64xf32, #tpu.memory_space<hbm>> -> memref<128x64xf32, #tpu.memory_space<hbm>>
    tpu.wait_dma2 semaphore(%arg9 : memref<!tpu.dma_semaphore, #tpu.memory_space<semaphore_mem>>) src(%dma_wait3A_106 : memref<128x64xf32, #tpu.memory_space<hbm>>) dst(%dma_wait3A_103 : memref<128x64xf32, #tpu.memory_space<vmem>>)
    %dma_wait3A_107 = arith.constant 256 : i32
    %dma_wait3A_108 = arith.constant 0 : i32
    %dma_wait3A_109 = tpu.memref_slice %arg6[%dma_wait3A_107, %dma_wait3A_108] : memref<512x64xf32, #tpu.memory_space<vmem>> -> memref<128x64xf32, #tpu.memory_space<vmem>>
    %dma_wait3A_110 = arith.constant 0 : i32
    %dma_wait3A_111 = arith.constant 0 : i32
    %dma_wait3A_112 = tpu.memref_slice %arg2[%dma_wait3A_110, %dma_wait3A_111] : memref<1000000x64xf32, #tpu.memory_space<hbm>> -> memref<128x64xf32, #tpu.memory_space<hbm>>
    %dma_wait3A_113 = arith.constant 256 : i32
    %dma_wait3A_114 = arith.constant 0 : i32
    %dma_wait3A_115 = tpu.memref_slice %arg6[%dma_wait3A_113, %dma_wait3A_114] : memref<512x64xf32, #tpu.memory_space<vmem>> -> memref<128x64xf32, #tpu.memory_space<vmem>>
    %dma_wait3A_116 = arith.constant 0 : i32
    %dma_wait3A_117 = arith.constant 0 : i32
    %dma_wait3A_118 = tpu.memref_slice %arg2[%dma_wait3A_116, %dma_wait3A_117] : memref<1000000x64xf32, #tpu.memory_space<hbm>> -> memref<128x64xf32, #tpu.memory_space<hbm>>
    tpu.wait_dma2 semaphore(%arg9 : memref<!tpu.dma_semaphore, #tpu.memory_space<semaphore_mem>>) src(%dma_wait3A_118 : memref<128x64xf32, #tpu.memory_space<hbm>>) dst(%dma_wait3A_115 : memref<128x64xf32, #tpu.memory_space<vmem>>)
    %dma_wait3A_119 = arith.constant 384 : i32
    %dma_wait3A_120 = arith.constant 0 : i32
    %dma_wait3A_121 = tpu.memref_slice %arg6[%dma_wait3A_119, %dma_wait3A_120] : memref<512x64xf32, #tpu.memory_space<vmem>> -> memref<128x64xf32, #tpu.memory_space<vmem>>
    %dma_wait3A_122 = arith.constant 0 : i32
    %dma_wait3A_123 = arith.constant 0 : i32
    %dma_wait3A_124 = tpu.memref_slice %arg2[%dma_wait3A_122, %dma_wait3A_123] : memref<1000000x64xf32, #tpu.memory_space<hbm>> -> memref<128x64xf32, #tpu.memory_space<hbm>>
    %dma_wait3A_125 = arith.constant 384 : i32
    %dma_wait3A_126 = arith.constant 0 : i32
    %dma_wait3A_127 = tpu.memref_slice %arg6[%dma_wait3A_125, %dma_wait3A_126] : memref<512x64xf32, #tpu.memory_space<vmem>> -> memref<128x64xf32, #tpu.memory_space<vmem>>
    %dma_wait3A_128 = arith.constant 0 : i32
    %dma_wait3A_129 = arith.constant 0 : i32
    %dma_wait3A_130 = tpu.memref_slice %arg2[%dma_wait3A_128, %dma_wait3A_129] : memref<1000000x64xf32, #tpu.memory_space<hbm>> -> memref<128x64xf32, #tpu.memory_space<hbm>>
    tpu.wait_dma2 semaphore(%arg9 : memref<!tpu.dma_semaphore, #tpu.memory_space<semaphore_mem>>) src(%dma_wait3A_130 : memref<128x64xf32, #tpu.memory_space<hbm>>) dst(%dma_wait3A_127 : memref<128x64xf32, #tpu.memory_space<vmem>>)
    %add3A_131 = arith.constant 0 : i32
    %add3A_132 = arith.addi %mul3A_4, %add3A_131 : i32
    %dma_start3A_133 = arith.constant 0 : i32
    %dma_start3A_134 = tpu.memref_slice %arg4[%add3A_132, %dma_start3A_133] : memref<819200x64xf32, #tpu.memory_space<hbm>> -> memref<512x64xf32, #tpu.memory_space<hbm>>
    %dma_start3A_135 = arith.constant 0 : i32
    %dma_start3A_136 = tpu.memref_slice %arg4[%add3A_132, %dma_start3A_135] : memref<819200x64xf32, #tpu.memory_space<hbm>> -> memref<512x64xf32, #tpu.memory_space<hbm>>
    tpu.enqueue_dma source(%arg6 : memref<512x64xf32, #tpu.memory_space<vmem>>) target(%dma_start3A_136 : memref<512x64xf32, #tpu.memory_space<hbm>>) target_semaphore(%arg12 : memref<!tpu.dma_semaphore, #tpu.memory_space<semaphore_mem>>)
    %dma_start3A_137 = arith.constant 8 : i32
    %dma_start3A_138 = arith.constant 0 : i32
    %dma_start3A_139 = arith.constant 0 : i32
    %dma_start3A_140 = tpu.memref_slice %arg8[%dma_start3A_138, %dma_start3A_139] : memref<512x64xf32, #tpu.memory_space<vmem>> -> memref<128x64xf32, #tpu.memory_space<vmem>>
    %dma_start3A_141 = arith.constant 0 : i32
    %dma_start3A_142 = tpu.memref_slice %arg5[%dma_start3A_137, %dma_start3A_141] : memref<200x128xi32, #tpu.memory_space<vmem>> -> memref<1x128xi32, #tpu.memory_space<vmem>>
    %dma_start3A_143 = tpu.memref_squeeze %dma_start3A_142 : memref<1x128xi32, #tpu.memory_space<vmem>> -> memref<128xi32, #tpu.memory_space<vmem>>
    %dma_start3A_144 = arith.constant 0 : i32
    %dma_start3A_145 = arith.constant 0 : i32
    %dma_start3A_146 = tpu.memref_slice %arg2[%dma_start3A_144, %dma_start3A_145] : memref<1000000x64xf32, #tpu.memory_space<hbm>> -> memref<1000000x64xf32, #tpu.memory_space<hbm>>
    tpu.enqueue_indirect_dma source(%dma_start3A_146 : memref<1000000x64xf32, #tpu.memory_space<hbm>>) target(%dma_start3A_140 : memref<128x64xf32, #tpu.memory_space<vmem>>) offsets(%dma_start3A_143 : memref<128xi32, #tpu.memory_space<vmem>>) semaphore(%arg11 : memref<!tpu.dma_semaphore, #tpu.memory_space<semaphore_mem>>)
    %dma_start3A_147 = arith.constant 9 : i32
    %dma_start3A_148 = arith.constant 128 : i32
    %dma_start3A_149 = arith.constant 0 : i32
    %dma_start3A_150 = tpu.memref_slice %arg8[%dma_start3A_148, %dma_start3A_149] : memref<512x64xf32, #tpu.memory_space<vmem>> -> memref<128x64xf32, #tpu.memory_space<vmem>>
    %dma_start3A_151 = arith.constant 0 : i32
    %dma_start3A_152 = tpu.memref_slice %arg5[%dma_start3A_147, %dma_start3A_151] : memref<200x128xi32, #tpu.memory_space<vmem>> -> memref<1x128xi32, #tpu.memory_space<vmem>>
    %dma_start3A_153 = tpu.memref_squeeze %dma_start3A_152 : memref<1x128xi32, #tpu.memory_space<vmem>> -> memref<128xi32, #tpu.memory_space<vmem>>
    %dma_start3A_154 = arith.constant 0 : i32
    %dma_start3A_155 = arith.constant 0 : i32
    %dma_start3A_156 = tpu.memref_slice %arg2[%dma_start3A_154, %dma_start3A_155] : memref<1000000x64xf32, #tpu.memory_space<hbm>> -> memref<1000000x64xf32, #tpu.memory_space<hbm>>
    tpu.enqueue_indirect_dma source(%dma_start3A_156 : memref<1000000x64xf32, #tpu.memory_space<hbm>>) target(%dma_start3A_150 : memref<128x64xf32, #tpu.memory_space<vmem>>) offsets(%dma_start3A_153 : memref<128xi32, #tpu.memory_space<vmem>>) semaphore(%arg11 : memref<!tpu.dma_semaphore, #tpu.memory_space<semaphore_mem>>)
    %dma_start3A_157 = arith.constant 10 : i32
    %dma_start3A_158 = arith.constant 256 : i32
    %dma_start3A_159 = arith.constant 0 : i32
    %dma_start3A_160 = tpu.memref_slice %arg8[%dma_start3A_158, %dma_start3A_159] : memref<512x64xf32, #tpu.memory_space<vmem>> -> memref<128x64xf32, #tpu.memory_space<vmem>>
    %dma_start3A_161 = arith.constant 0 : i32
    %dma_start3A_162 = tpu.memref_slice %arg5[%dma_start3A_157, %dma_start3A_161] : memref<200x128xi32, #tpu.memory_space<vmem>> -> memref<1x128xi32, #tpu.memory_space<vmem>>
    %dma_start3A_163 = tpu.memref_squeeze %dma_start3A_162 : memref<1x128xi32, #tpu.memory_space<vmem>> -> memref<128xi32, #tpu.memory_space<vmem>>
    %dma_start3A_164 = arith.constant 0 : i32
    %dma_start3A_165 = arith.constant 0 : i32
    %dma_start3A_166 = tpu.memref_slice %arg2[%dma_start3A_164, %dma_start3A_165] : memref<1000000x64xf32, #tpu.memory_space<hbm>> -> memref<1000000x64xf32, #tpu.memory_space<hbm>>
    tpu.enqueue_indirect_dma source(%dma_start3A_166 : memref<1000000x64xf32, #tpu.memory_space<hbm>>) target(%dma_start3A_160 : memref<128x64xf32, #tpu.memory_space<vmem>>) offsets(%dma_start3A_163 : memref<128xi32, #tpu.memory_space<vmem>>) semaphore(%arg11 : memref<!tpu.dma_semaphore, #tpu.memory_space<semaphore_mem>>)
    %dma_start3A_167 = arith.constant 11 : i32
    %dma_start3A_168 = arith.constant 384 : i32
    %dma_start3A_169 = arith.constant 0 : i32
    %dma_start3A_170 = tpu.memref_slice %arg8[%dma_start3A_168, %dma_start3A_169] : memref<512x64xf32, #tpu.memory_space<vmem>> -> memref<128x64xf32, #tpu.memory_space<vmem>>
    %dma_start3A_171 = arith.constant 0 : i32
    %dma_start3A_172 = tpu.memref_slice %arg5[%dma_start3A_167, %dma_start3A_171] : memref<200x128xi32, #tpu.memory_space<vmem>> -> memref<1x128xi32, #tpu.memory_space<vmem>>
    %dma_start3A_173 = tpu.memref_squeeze %dma_start3A_172 : memref<1x128xi32, #tpu.memory_space<vmem>> -> memref<128xi32, #tpu.memory_space<vmem>>
    %dma_start3A_174 = arith.constant 0 : i32
    %dma_start3A_175 = arith.constant 0 : i32
    %dma_start3A_176 = tpu.memref_slice %arg2[%dma_start3A_174, %dma_start3A_175] : memref<1000000x64xf32, #tpu.memory_space<hbm>> -> memref<1000000x64xf32, #tpu.memory_space<hbm>>
    tpu.enqueue_indirect_dma source(%dma_start3A_176 : memref<1000000x64xf32, #tpu.memory_space<hbm>>) target(%dma_start3A_170 : memref<128x64xf32, #tpu.memory_space<vmem>>) offsets(%dma_start3A_173 : memref<128xi32, #tpu.memory_space<vmem>>) semaphore(%arg11 : memref<!tpu.dma_semaphore, #tpu.memory_space<semaphore_mem>>)
    %scan3A = arith.constant 0 : i32
    %scan3A_177 = arith.constant 0 : i32
    %scan3A_178 = arith.constant 15 : i32
    %scan3A_179 = arith.addi %scan3A_177, %scan3A_178 : i32
    %scan3A_180 = arith.constant 1 : i32
    scf.for %scan3A_498 = %scan3A_177 to %scan3A_179 step %scan3A_180  : i32 {
      %mul3A_499 = arith.constant 3 : i32
      %mul3A_500 = arith.muli %mul3A_499, %scan3A_498 : i32
      %add3A_501 = arith.constant 1 : i32
      %add3A_502 = arith.addi %mul3A_500, %add3A_501 : i32
      %dma_wait3A_503 = arith.constant 0 : i32
      %dma_wait3A_504 = arith.constant 0 : i32
      %dma_wait3A_505 = tpu.memref_slice %arg7[%dma_wait3A_503, %dma_wait3A_504] : memref<512x64xf32, #tpu.memory_space<vmem>> -> memref<128x64xf32, #tpu.memory_space<vmem>>
      %dma_wait3A_506 = arith.constant 0 : i32
      %dma_wait3A_507 = arith.constant 0 : i32
      %dma_wait3A_508 = tpu.memref_slice %arg2[%dma_wait3A_506, %dma_wait3A_507] : memref<1000000x64xf32, #tpu.memory_space<hbm>> -> memref<128x64xf32, #tpu.memory_space<hbm>>
      %dma_wait3A_509 = arith.constant 0 : i32
      %dma_wait3A_510 = arith.constant 0 : i32
      %dma_wait3A_511 = tpu.memref_slice %arg7[%dma_wait3A_509, %dma_wait3A_510] : memref<512x64xf32, #tpu.memory_space<vmem>> -> memref<128x64xf32, #tpu.memory_space<vmem>>
      %dma_wait3A_512 = arith.constant 0 : i32
      %dma_wait3A_513 = arith.constant 0 : i32
      %dma_wait3A_514 = tpu.memref_slice %arg2[%dma_wait3A_512, %dma_wait3A_513] : memref<1000000x64xf32, #tpu.memory_space<hbm>> -> memref<128x64xf32, #tpu.memory_space<hbm>>
      tpu.wait_dma2 semaphore(%arg10 : memref<!tpu.dma_semaphore, #tpu.memory_space<semaphore_mem>>) src(%dma_wait3A_514 : memref<128x64xf32, #tpu.memory_space<hbm>>) dst(%dma_wait3A_511 : memref<128x64xf32, #tpu.memory_space<vmem>>)
      %dma_wait3A_515 = arith.constant 128 : i32
      %dma_wait3A_516 = arith.constant 0 : i32
      %dma_wait3A_517 = tpu.memref_slice %arg7[%dma_wait3A_515, %dma_wait3A_516] : memref<512x64xf32, #tpu.memory_space<vmem>> -> memref<128x64xf32, #tpu.memory_space<vmem>>
      %dma_wait3A_518 = arith.constant 0 : i32
      %dma_wait3A_519 = arith.constant 0 : i32
      %dma_wait3A_520 = tpu.memref_slice %arg2[%dma_wait3A_518, %dma_wait3A_519] : memref<1000000x64xf32, #tpu.memory_space<hbm>> -> memref<128x64xf32, #tpu.memory_space<hbm>>
      %dma_wait3A_521 = arith.constant 128 : i32
      %dma_wait3A_522 = arith.constant 0 : i32
      %dma_wait3A_523 = tpu.memref_slice %arg7[%dma_wait3A_521, %dma_wait3A_522] : memref<512x64xf32, #tpu.memory_space<vmem>> -> memref<128x64xf32, #tpu.memory_space<vmem>>
      %dma_wait3A_524 = arith.constant 0 : i32
      %dma_wait3A_525 = arith.constant 0 : i32
      %dma_wait3A_526 = tpu.memref_slice %arg2[%dma_wait3A_524, %dma_wait3A_525] : memref<1000000x64xf32, #tpu.memory_space<hbm>> -> memref<128x64xf32, #tpu.memory_space<hbm>>
      tpu.wait_dma2 semaphore(%arg10 : memref<!tpu.dma_semaphore, #tpu.memory_space<semaphore_mem>>) src(%dma_wait3A_526 : memref<128x64xf32, #tpu.memory_space<hbm>>) dst(%dma_wait3A_523 : memref<128x64xf32, #tpu.memory_space<vmem>>)
      %dma_wait3A_527 = arith.constant 256 : i32
      %dma_wait3A_528 = arith.constant 0 : i32
      %dma_wait3A_529 = tpu.memref_slice %arg7[%dma_wait3A_527, %dma_wait3A_528] : memref<512x64xf32, #tpu.memory_space<vmem>> -> memref<128x64xf32, #tpu.memory_space<vmem>>
      %dma_wait3A_530 = arith.constant 0 : i32
      %dma_wait3A_531 = arith.constant 0 : i32
      %dma_wait3A_532 = tpu.memref_slice %arg2[%dma_wait3A_530, %dma_wait3A_531] : memref<1000000x64xf32, #tpu.memory_space<hbm>> -> memref<128x64xf32, #tpu.memory_space<hbm>>
      %dma_wait3A_533 = arith.constant 256 : i32
      %dma_wait3A_534 = arith.constant 0 : i32
      %dma_wait3A_535 = tpu.memref_slice %arg7[%dma_wait3A_533, %dma_wait3A_534] : memref<512x64xf32, #tpu.memory_space<vmem>> -> memref<128x64xf32, #tpu.memory_space<vmem>>
      %dma_wait3A_536 = arith.constant 0 : i32
      %dma_wait3A_537 = arith.constant 0 : i32
      %dma_wait3A_538 = tpu.memref_slice %arg2[%dma_wait3A_536, %dma_wait3A_537] : memref<1000000x64xf32, #tpu.memory_space<hbm>> -> memref<128x64xf32, #tpu.memory_space<hbm>>
      tpu.wait_dma2 semaphore(%arg10 : memref<!tpu.dma_semaphore, #tpu.memory_space<semaphore_mem>>) src(%dma_wait3A_538 : memref<128x64xf32, #tpu.memory_space<hbm>>) dst(%dma_wait3A_535 : memref<128x64xf32, #tpu.memory_space<vmem>>)
      %dma_wait3A_539 = arith.constant 384 : i32
      %dma_wait3A_540 = arith.constant 0 : i32
      %dma_wait3A_541 = tpu.memref_slice %arg7[%dma_wait3A_539, %dma_wait3A_540] : memref<512x64xf32, #tpu.memory_space<vmem>> -> memref<128x64xf32, #tpu.memory_space<vmem>>
      %dma_wait3A_542 = arith.constant 0 : i32
      %dma_wait3A_543 = arith.constant 0 : i32
      %dma_wait3A_544 = tpu.memref_slice %arg2[%dma_wait3A_542, %dma_wait3A_543] : memref<1000000x64xf32, #tpu.memory_space<hbm>> -> memref<128x64xf32, #tpu.memory_space<hbm>>
      %dma_wait3A_545 = arith.constant 384 : i32
      %dma_wait3A_546 = arith.constant 0 : i32
      %dma_wait3A_547 = tpu.memref_slice %arg7[%dma_wait3A_545, %dma_wait3A_546] : memref<512x64xf32, #tpu.memory_space<vmem>> -> memref<128x64xf32, #tpu.memory_space<vmem>>
      %dma_wait3A_548 = arith.constant 0 : i32
      %dma_wait3A_549 = arith.constant 0 : i32
      %dma_wait3A_550 = tpu.memref_slice %arg2[%dma_wait3A_548, %dma_wait3A_549] : memref<1000000x64xf32, #tpu.memory_space<hbm>> -> memref<128x64xf32, #tpu.memory_space<hbm>>
      tpu.wait_dma2 semaphore(%arg10 : memref<!tpu.dma_semaphore, #tpu.memory_space<semaphore_mem>>) src(%dma_wait3A_550 : memref<128x64xf32, #tpu.memory_space<hbm>>) dst(%dma_wait3A_547 : memref<128x64xf32, #tpu.memory_space<vmem>>)
      %mul3A_551 = arith.constant 512 : i32
      %mul3A_552 = arith.muli %add3A_502, %mul3A_551 : i32
      %add3A_553 = arith.addi %mul3A_4, %mul3A_552 : i32
      %dma_start3A_554 = arith.constant 0 : i32
      %dma_start3A_555 = tpu.memref_slice %arg4[%add3A_553, %dma_start3A_554] : memref<819200x64xf32, #tpu.memory_space<hbm>> -> memref<512x64xf32, #tpu.memory_space<hbm>>
      %dma_start3A_556 = arith.constant 0 : i32
      %dma_start3A_557 = tpu.memref_slice %arg4[%add3A_553, %dma_start3A_556] : memref<819200x64xf32, #tpu.memory_space<hbm>> -> memref<512x64xf32, #tpu.memory_space<hbm>>
      tpu.enqueue_dma source(%arg7 : memref<512x64xf32, #tpu.memory_space<vmem>>) target(%dma_start3A_557 : memref<512x64xf32, #tpu.memory_space<hbm>>) target_semaphore(%arg13 : memref<!tpu.dma_semaphore, #tpu.memory_space<semaphore_mem>>)
      %dma_wait3A_558 = arith.constant 0 : i32
      %dma_wait3A_559 = tpu.memref_slice %arg4[%mul3A_4, %dma_wait3A_558] : memref<819200x64xf32, #tpu.memory_space<hbm>> -> memref<512x64xf32, #tpu.memory_space<hbm>>
      %dma_wait3A_560 = arith.constant 0 : i32
      %dma_wait3A_561 = tpu.memref_slice %arg4[%mul3A_4, %dma_wait3A_560] : memref<819200x64xf32, #tpu.memory_space<hbm>> -> memref<512x64xf32, #tpu.memory_space<hbm>>
      tpu.wait_dma2 semaphore(%arg12 : memref<!tpu.dma_semaphore, #tpu.memory_space<semaphore_mem>>) src(%arg6 : memref<512x64xf32, #tpu.memory_space<vmem>>) dst(%dma_wait3A_561 : memref<512x64xf32, #tpu.memory_space<hbm>>)
      %add3A_562 = arith.constant 2 : i32
      %add3A_563 = arith.addi %add3A_502, %add3A_562 : i32
      %mul3A_564 = arith.constant 4 : i32
      %mul3A_565 = arith.muli %add3A_563, %mul3A_564 : i32
      %add3A_566 = arith.constant 0 : i32
      %add3A_567 = arith.addi %mul3A_565, %add3A_566 : i32
      %dma_start3A_568 = arith.constant 0 : i32
      %dma_start3A_569 = arith.constant 0 : i32
      %dma_start3A_570 = tpu.memref_slice %arg6[%dma_start3A_568, %dma_start3A_569] : memref<512x64xf32, #tpu.memory_space<vmem>> -> memref<128x64xf32, #tpu.memory_space<vmem>>
      %dma_start3A_571 = arith.constant 0 : i32
      %dma_start3A_572 = tpu.memref_slice %arg5[%add3A_567, %dma_start3A_571] : memref<200x128xi32, #tpu.memory_space<vmem>> -> memref<1x128xi32, #tpu.memory_space<vmem>>
      %dma_start3A_573 = tpu.memref_squeeze %dma_start3A_572 : memref<1x128xi32, #tpu.memory_space<vmem>> -> memref<128xi32, #tpu.memory_space<vmem>>
      %dma_start3A_574 = arith.constant 0 : i32
      %dma_start3A_575 = arith.constant 0 : i32
      %dma_start3A_576 = tpu.memref_slice %arg2[%dma_start3A_574, %dma_start3A_575] : memref<1000000x64xf32, #tpu.memory_space<hbm>> -> memref<1000000x64xf32, #tpu.memory_space<hbm>>
      tpu.enqueue_indirect_dma source(%dma_start3A_576 : memref<1000000x64xf32, #tpu.memory_space<hbm>>) target(%dma_start3A_570 : memref<128x64xf32, #tpu.memory_space<vmem>>) offsets(%dma_start3A_573 : memref<128xi32, #tpu.memory_space<vmem>>) semaphore(%arg9 : memref<!tpu.dma_semaphore, #tpu.memory_space<semaphore_mem>>)
      %mul3A_577 = arith.constant 4 : i32
      %mul3A_578 = arith.muli %add3A_563, %mul3A_577 : i32
      %add3A_579 = arith.constant 1 : i32
      %add3A_580 = arith.addi %mul3A_578, %add3A_579 : i32
      %dma_start3A_581 = arith.constant 128 : i32
      %dma_start3A_582 = arith.constant 0 : i32
      %dma_start3A_583 = tpu.memref_slice %arg6[%dma_start3A_581, %dma_start3A_582] : memref<512x64xf32, #tpu.memory_space<vmem>> -> memref<128x64xf32, #tpu.memory_space<vmem>>
      %dma_start3A_584 = arith.constant 0 : i32
      %dma_start3A_585 = tpu.memref_slice %arg5[%add3A_580, %dma_start3A_584] : memref<200x128xi32, #tpu.memory_space<vmem>> -> memref<1x128xi32, #tpu.memory_space<vmem>>
      %dma_start3A_586 = tpu.memref_squeeze %dma_start3A_585 : memref<1x128xi32, #tpu.memory_space<vmem>> -> memref<128xi32, #tpu.memory_space<vmem>>
      %dma_start3A_587 = arith.constant 0 : i32
      %dma_start3A_588 = arith.constant 0 : i32
      %dma_start3A_589 = tpu.memref_slice %arg2[%dma_start3A_587, %dma_start3A_588] : memref<1000000x64xf32, #tpu.memory_space<hbm>> -> memref<1000000x64xf32, #tpu.memory_space<hbm>>
      tpu.enqueue_indirect_dma source(%dma_start3A_589 : memref<1000000x64xf32, #tpu.memory_space<hbm>>) target(%dma_start3A_583 : memref<128x64xf32, #tpu.memory_space<vmem>>) offsets(%dma_start3A_586 : memref<128xi32, #tpu.memory_space<vmem>>) semaphore(%arg9 : memref<!tpu.dma_semaphore, #tpu.memory_space<semaphore_mem>>)
      %mul3A_590 = arith.constant 4 : i32
      %mul3A_591 = arith.muli %add3A_563, %mul3A_590 : i32
      %add3A_592 = arith.constant 2 : i32
      %add3A_593 = arith.addi %mul3A_591, %add3A_592 : i32
      %dma_start3A_594 = arith.constant 256 : i32
      %dma_start3A_595 = arith.constant 0 : i32
      %dma_start3A_596 = tpu.memref_slice %arg6[%dma_start3A_594, %dma_start3A_595] : memref<512x64xf32, #tpu.memory_space<vmem>> -> memref<128x64xf32, #tpu.memory_space<vmem>>
      %dma_start3A_597 = arith.constant 0 : i32
      %dma_start3A_598 = tpu.memref_slice %arg5[%add3A_593, %dma_start3A_597] : memref<200x128xi32, #tpu.memory_space<vmem>> -> memref<1x128xi32, #tpu.memory_space<vmem>>
      %dma_start3A_599 = tpu.memref_squeeze %dma_start3A_598 : memref<1x128xi32, #tpu.memory_space<vmem>> -> memref<128xi32, #tpu.memory_space<vmem>>
      %dma_start3A_600 = arith.constant 0 : i32
      %dma_start3A_601 = arith.constant 0 : i32
      %dma_start3A_602 = tpu.memref_slice %arg2[%dma_start3A_600, %dma_start3A_601] : memref<1000000x64xf32, #tpu.memory_space<hbm>> -> memref<1000000x64xf32, #tpu.memory_space<hbm>>
      tpu.enqueue_indirect_dma source(%dma_start3A_602 : memref<1000000x64xf32, #tpu.memory_space<hbm>>) target(%dma_start3A_596 : memref<128x64xf32, #tpu.memory_space<vmem>>) offsets(%dma_start3A_599 : memref<128xi32, #tpu.memory_space<vmem>>) semaphore(%arg9 : memref<!tpu.dma_semaphore, #tpu.memory_space<semaphore_mem>>)
      %mul3A_603 = arith.constant 4 : i32
      %mul3A_604 = arith.muli %add3A_563, %mul3A_603 : i32
      %add3A_605 = arith.constant 3 : i32
      %add3A_606 = arith.addi %mul3A_604, %add3A_605 : i32
      %dma_start3A_607 = arith.constant 384 : i32
      %dma_start3A_608 = arith.constant 0 : i32
      %dma_start3A_609 = tpu.memref_slice %arg6[%dma_start3A_607, %dma_start3A_608] : memref<512x64xf32, #tpu.memory_space<vmem>> -> memref<128x64xf32, #tpu.memory_space<vmem>>
      %dma_start3A_610 = arith.constant 0 : i32
      %dma_start3A_611 = tpu.memref_slice %arg5[%add3A_606, %dma_start3A_610] : memref<200x128xi32, #tpu.memory_space<vmem>> -> memref<1x128xi32, #tpu.memory_space<vmem>>
      %dma_start3A_612 = tpu.memref_squeeze %dma_start3A_611 : memref<1x128xi32, #tpu.memory_space<vmem>> -> memref<128xi32, #tpu.memory_space<vmem>>
      %dma_start3A_613 = arith.constant 0 : i32
      %dma_start3A_614 = arith.constant 0 : i32
      %dma_start3A_615 = tpu.memref_slice %arg2[%dma_start3A_613, %dma_start3A_614] : memref<1000000x64xf32, #tpu.memory_space<hbm>> -> memref<1000000x64xf32, #tpu.memory_space<hbm>>
      tpu.enqueue_indirect_dma source(%dma_start3A_615 : memref<1000000x64xf32, #tpu.memory_space<hbm>>) target(%dma_start3A_609 : memref<128x64xf32, #tpu.memory_space<vmem>>) offsets(%dma_start3A_612 : memref<128xi32, #tpu.memory_space<vmem>>) semaphore(%arg9 : memref<!tpu.dma_semaphore, #tpu.memory_space<semaphore_mem>>)
      %add3A_616 = arith.constant 1 : i32
      %add3A_617 = arith.addi %add3A_502, %add3A_616 : i32
      %dma_wait3A_618 = arith.constant 0 : i32
      %dma_wait3A_619 = arith.constant 0 : i32
      %dma_wait3A_620 = tpu.memref_slice %arg8[%dma_wait3A_618, %dma_wait3A_619] : memref<512x64xf32, #tpu.memory_space<vmem>> -> memref<128x64xf32, #tpu.memory_space<vmem>>
      %dma_wait3A_621 = arith.constant 0 : i32
      %dma_wait3A_622 = arith.constant 0 : i32
      %dma_wait3A_623 = tpu.memref_slice %arg2[%dma_wait3A_621, %dma_wait3A_622] : memref<1000000x64xf32, #tpu.memory_space<hbm>> -> memref<128x64xf32, #tpu.memory_space<hbm>>
      %dma_wait3A_624 = arith.constant 0 : i32
      %dma_wait3A_625 = arith.constant 0 : i32
      %dma_wait3A_626 = tpu.memref_slice %arg8[%dma_wait3A_624, %dma_wait3A_625] : memref<512x64xf32, #tpu.memory_space<vmem>> -> memref<128x64xf32, #tpu.memory_space<vmem>>
      %dma_wait3A_627 = arith.constant 0 : i32
      %dma_wait3A_628 = arith.constant 0 : i32
      %dma_wait3A_629 = tpu.memref_slice %arg2[%dma_wait3A_627, %dma_wait3A_628] : memref<1000000x64xf32, #tpu.memory_space<hbm>> -> memref<128x64xf32, #tpu.memory_space<hbm>>
      tpu.wait_dma2 semaphore(%arg11 : memref<!tpu.dma_semaphore, #tpu.memory_space<semaphore_mem>>) src(%dma_wait3A_629 : memref<128x64xf32, #tpu.memory_space<hbm>>) dst(%dma_wait3A_626 : memref<128x64xf32, #tpu.memory_space<vmem>>)
      %dma_wait3A_630 = arith.constant 128 : i32
      %dma_wait3A_631 = arith.constant 0 : i32
      %dma_wait3A_632 = tpu.memref_slice %arg8[%dma_wait3A_630, %dma_wait3A_631] : memref<512x64xf32, #tpu.memory_space<vmem>> -> memref<128x64xf32, #tpu.memory_space<vmem>>
      %dma_wait3A_633 = arith.constant 0 : i32
      %dma_wait3A_634 = arith.constant 0 : i32
      %dma_wait3A_635 = tpu.memref_slice %arg2[%dma_wait3A_633, %dma_wait3A_634] : memref<1000000x64xf32, #tpu.memory_space<hbm>> -> memref<128x64xf32, #tpu.memory_space<hbm>>
      %dma_wait3A_636 = arith.constant 128 : i32
      %dma_wait3A_637 = arith.constant 0 : i32
      %dma_wait3A_638 = tpu.memref_slice %arg8[%dma_wait3A_636, %dma_wait3A_637] : memref<512x64xf32, #tpu.memory_space<vmem>> -> memref<128x64xf32, #tpu.memory_space<vmem>>
      %dma_wait3A_639 = arith.constant 0 : i32
      %dma_wait3A_640 = arith.constant 0 : i32
      %dma_wait3A_641 = tpu.memref_slice %arg2[%dma_wait3A_639, %dma_wait3A_640] : memref<1000000x64xf32, #tpu.memory_space<hbm>> -> memref<128x64xf32, #tpu.memory_space<hbm>>
      tpu.wait_dma2 semaphore(%arg11 : memref<!tpu.dma_semaphore, #tpu.memory_space<semaphore_mem>>) src(%dma_wait3A_641 : memref<128x64xf32, #tpu.memory_space<hbm>>) dst(%dma_wait3A_638 : memref<128x64xf32, #tpu.memory_space<vmem>>)
      %dma_wait3A_642 = arith.constant 256 : i32
      %dma_wait3A_643 = arith.constant 0 : i32
      %dma_wait3A_644 = tpu.memref_slice %arg8[%dma_wait3A_642, %dma_wait3A_643] : memref<512x64xf32, #tpu.memory_space<vmem>> -> memref<128x64xf32, #tpu.memory_space<vmem>>
      %dma_wait3A_645 = arith.constant 0 : i32
      %dma_wait3A_646 = arith.constant 0 : i32
      %dma_wait3A_647 = tpu.memref_slice %arg2[%dma_wait3A_645, %dma_wait3A_646] : memref<1000000x64xf32, #tpu.memory_space<hbm>> -> memref<128x64xf32, #tpu.memory_space<hbm>>
      %dma_wait3A_648 = arith.constant 256 : i32
      %dma_wait3A_649 = arith.constant 0 : i32
      %dma_wait3A_650 = tpu.memref_slice %arg8[%dma_wait3A_648, %dma_wait3A_649] : memref<512x64xf32, #tpu.memory_space<vmem>> -> memref<128x64xf32, #tpu.memory_space<vmem>>
      %dma_wait3A_651 = arith.constant 0 : i32
      %dma_wait3A_652 = arith.constant 0 : i32
      %dma_wait3A_653 = tpu.memref_slice %arg2[%dma_wait3A_651, %dma_wait3A_652] : memref<1000000x64xf32, #tpu.memory_space<hbm>> -> memref<128x64xf32, #tpu.memory_space<hbm>>
      tpu.wait_dma2 semaphore(%arg11 : memref<!tpu.dma_semaphore, #tpu.memory_space<semaphore_mem>>) src(%dma_wait3A_653 : memref<128x64xf32, #tpu.memory_space<hbm>>) dst(%dma_wait3A_650 : memref<128x64xf32, #tpu.memory_space<vmem>>)
      %dma_wait3A_654 = arith.constant 384 : i32
      %dma_wait3A_655 = arith.constant 0 : i32
      %dma_wait3A_656 = tpu.memref_slice %arg8[%dma_wait3A_654, %dma_wait3A_655] : memref<512x64xf32, #tpu.memory_space<vmem>> -> memref<128x64xf32, #tpu.memory_space<vmem>>
      %dma_wait3A_657 = arith.constant 0 : i32
      %dma_wait3A_658 = arith.constant 0 : i32
      %dma_wait3A_659 = tpu.memref_slice %arg2[%dma_wait3A_657, %dma_wait3A_658] : memref<1000000x64xf32, #tpu.memory_space<hbm>> -> memref<128x64xf32, #tpu.memory_space<hbm>>
      %dma_wait3A_660 = arith.constant 384 : i32
      %dma_wait3A_661 = arith.constant 0 : i32
      %dma_wait3A_662 = tpu.memref_slice %arg8[%dma_wait3A_660, %dma_wait3A_661] : memref<512x64xf32, #tpu.memory_space<vmem>> -> memref<128x64xf32, #tpu.memory_space<vmem>>
      %dma_wait3A_663 = arith.constant 0 : i32
      %dma_wait3A_664 = arith.constant 0 : i32
      %dma_wait3A_665 = tpu.memref_slice %arg2[%dma_wait3A_663, %dma_wait3A_664] : memref<1000000x64xf32, #tpu.memory_space<hbm>> -> memref<128x64xf32, #tpu.memory_space<hbm>>
      tpu.wait_dma2 semaphore(%arg11 : memref<!tpu.dma_semaphore, #tpu.memory_space<semaphore_mem>>) src(%dma_wait3A_665 : memref<128x64xf32, #tpu.memory_space<hbm>>) dst(%dma_wait3A_662 : memref<128x64xf32, #tpu.memory_space<vmem>>)
      %mul3A_666 = arith.constant 512 : i32
      %mul3A_667 = arith.muli %add3A_617, %mul3A_666 : i32
      %add3A_668 = arith.addi %mul3A_4, %mul3A_667 : i32
      %dma_start3A_669 = arith.constant 0 : i32
      %dma_start3A_670 = tpu.memref_slice %arg4[%add3A_668, %dma_start3A_669] : memref<819200x64xf32, #tpu.memory_space<hbm>> -> memref<512x64xf32, #tpu.memory_space<hbm>>
      %dma_start3A_671 = arith.constant 0 : i32
      %dma_start3A_672 = tpu.memref_slice %arg4[%add3A_668, %dma_start3A_671] : memref<819200x64xf32, #tpu.memory_space<hbm>> -> memref<512x64xf32, #tpu.memory_space<hbm>>
      tpu.enqueue_dma source(%arg8 : memref<512x64xf32, #tpu.memory_space<vmem>>) target(%dma_start3A_672 : memref<512x64xf32, #tpu.memory_space<hbm>>) target_semaphore(%arg14 : memref<!tpu.dma_semaphore, #tpu.memory_space<semaphore_mem>>)
      %dma_wait3A_673 = arith.constant 0 : i32
      %dma_wait3A_674 = tpu.memref_slice %arg4[%mul3A_4, %dma_wait3A_673] : memref<819200x64xf32, #tpu.memory_space<hbm>> -> memref<512x64xf32, #tpu.memory_space<hbm>>
      %dma_wait3A_675 = arith.constant 0 : i32
      %dma_wait3A_676 = tpu.memref_slice %arg4[%mul3A_4, %dma_wait3A_675] : memref<819200x64xf32, #tpu.memory_space<hbm>> -> memref<512x64xf32, #tpu.memory_space<hbm>>
      tpu.wait_dma2 semaphore(%arg13 : memref<!tpu.dma_semaphore, #tpu.memory_space<semaphore_mem>>) src(%arg7 : memref<512x64xf32, #tpu.memory_space<vmem>>) dst(%dma_wait3A_676 : memref<512x64xf32, #tpu.memory_space<hbm>>)
      %add3A_677 = arith.constant 2 : i32
      %add3A_678 = arith.addi %add3A_617, %add3A_677 : i32
      %mul3A_679 = arith.constant 4 : i32
      %mul3A_680 = arith.muli %add3A_678, %mul3A_679 : i32
      %add3A_681 = arith.constant 0 : i32
      %add3A_682 = arith.addi %mul3A_680, %add3A_681 : i32
      %dma_start3A_683 = arith.constant 0 : i32
      %dma_start3A_684 = arith.constant 0 : i32
      %dma_start3A_685 = tpu.memref_slice %arg7[%dma_start3A_683, %dma_start3A_684] : memref<512x64xf32, #tpu.memory_space<vmem>> -> memref<128x64xf32, #tpu.memory_space<vmem>>
      %dma_start3A_686 = arith.constant 0 : i32
      %dma_start3A_687 = tpu.memref_slice %arg5[%add3A_682, %dma_start3A_686] : memref<200x128xi32, #tpu.memory_space<vmem>> -> memref<1x128xi32, #tpu.memory_space<vmem>>
      %dma_start3A_688 = tpu.memref_squeeze %dma_start3A_687 : memref<1x128xi32, #tpu.memory_space<vmem>> -> memref<128xi32, #tpu.memory_space<vmem>>
      %dma_start3A_689 = arith.constant 0 : i32
      %dma_start3A_690 = arith.constant 0 : i32
      %dma_start3A_691 = tpu.memref_slice %arg2[%dma_start3A_689, %dma_start3A_690] : memref<1000000x64xf32, #tpu.memory_space<hbm>> -> memref<1000000x64xf32, #tpu.memory_space<hbm>>
      tpu.enqueue_indirect_dma source(%dma_start3A_691 : memref<1000000x64xf32, #tpu.memory_space<hbm>>) target(%dma_start3A_685 : memref<128x64xf32, #tpu.memory_space<vmem>>) offsets(%dma_start3A_688 : memref<128xi32, #tpu.memory_space<vmem>>) semaphore(%arg10 : memref<!tpu.dma_semaphore, #tpu.memory_space<semaphore_mem>>)
      %mul3A_692 = arith.constant 4 : i32
      %mul3A_693 = arith.muli %add3A_678, %mul3A_692 : i32
      %add3A_694 = arith.constant 1 : i32
      %add3A_695 = arith.addi %mul3A_693, %add3A_694 : i32
      %dma_start3A_696 = arith.constant 128 : i32
      %dma_start3A_697 = arith.constant 0 : i32
      %dma_start3A_698 = tpu.memref_slice %arg7[%dma_start3A_696, %dma_start3A_697] : memref<512x64xf32, #tpu.memory_space<vmem>> -> memref<128x64xf32, #tpu.memory_space<vmem>>
      %dma_start3A_699 = arith.constant 0 : i32
      %dma_start3A_700 = tpu.memref_slice %arg5[%add3A_695, %dma_start3A_699] : memref<200x128xi32, #tpu.memory_space<vmem>> -> memref<1x128xi32, #tpu.memory_space<vmem>>
      %dma_start3A_701 = tpu.memref_squeeze %dma_start3A_700 : memref<1x128xi32, #tpu.memory_space<vmem>> -> memref<128xi32, #tpu.memory_space<vmem>>
      %dma_start3A_702 = arith.constant 0 : i32
      %dma_start3A_703 = arith.constant 0 : i32
      %dma_start3A_704 = tpu.memref_slice %arg2[%dma_start3A_702, %dma_start3A_703] : memref<1000000x64xf32, #tpu.memory_space<hbm>> -> memref<1000000x64xf32, #tpu.memory_space<hbm>>
      tpu.enqueue_indirect_dma source(%dma_start3A_704 : memref<1000000x64xf32, #tpu.memory_space<hbm>>) target(%dma_start3A_698 : memref<128x64xf32, #tpu.memory_space<vmem>>) offsets(%dma_start3A_701 : memref<128xi32, #tpu.memory_space<vmem>>) semaphore(%arg10 : memref<!tpu.dma_semaphore, #tpu.memory_space<semaphore_mem>>)
      %mul3A_705 = arith.constant 4 : i32
      %mul3A_706 = arith.muli %add3A_678, %mul3A_705 : i32
      %add3A_707 = arith.constant 2 : i32
      %add3A_708 = arith.addi %mul3A_706, %add3A_707 : i32
      %dma_start3A_709 = arith.constant 256 : i32
      %dma_start3A_710 = arith.constant 0 : i32
      %dma_start3A_711 = tpu.memref_slice %arg7[%dma_start3A_709, %dma_start3A_710] : memref<512x64xf32, #tpu.memory_space<vmem>> -> memref<128x64xf32, #tpu.memory_space<vmem>>
      %dma_start3A_712 = arith.constant 0 : i32
      %dma_start3A_713 = tpu.memref_slice %arg5[%add3A_708, %dma_start3A_712] : memref<200x128xi32, #tpu.memory_space<vmem>> -> memref<1x128xi32, #tpu.memory_space<vmem>>
      %dma_start3A_714 = tpu.memref_squeeze %dma_start3A_713 : memref<1x128xi32, #tpu.memory_space<vmem>> -> memref<128xi32, #tpu.memory_space<vmem>>
      %dma_start3A_715 = arith.constant 0 : i32
      %dma_start3A_716 = arith.constant 0 : i32
      %dma_start3A_717 = tpu.memref_slice %arg2[%dma_start3A_715, %dma_start3A_716] : memref<1000000x64xf32, #tpu.memory_space<hbm>> -> memref<1000000x64xf32, #tpu.memory_space<hbm>>
      tpu.enqueue_indirect_dma source(%dma_start3A_717 : memref<1000000x64xf32, #tpu.memory_space<hbm>>) target(%dma_start3A_711 : memref<128x64xf32, #tpu.memory_space<vmem>>) offsets(%dma_start3A_714 : memref<128xi32, #tpu.memory_space<vmem>>) semaphore(%arg10 : memref<!tpu.dma_semaphore, #tpu.memory_space<semaphore_mem>>)
      %mul3A_718 = arith.constant 4 : i32
      %mul3A_719 = arith.muli %add3A_678, %mul3A_718 : i32
      %add3A_720 = arith.constant 3 : i32
      %add3A_721 = arith.addi %mul3A_719, %add3A_720 : i32
      %dma_start3A_722 = arith.constant 384 : i32
      %dma_start3A_723 = arith.constant 0 : i32
      %dma_start3A_724 = tpu.memref_slice %arg7[%dma_start3A_722, %dma_start3A_723] : memref<512x64xf32, #tpu.memory_space<vmem>> -> memref<128x64xf32, #tpu.memory_space<vmem>>
      %dma_start3A_725 = arith.constant 0 : i32
      %dma_start3A_726 = tpu.memref_slice %arg5[%add3A_721, %dma_start3A_725] : memref<200x128xi32, #tpu.memory_space<vmem>> -> memref<1x128xi32, #tpu.memory_space<vmem>>
      %dma_start3A_727 = tpu.memref_squeeze %dma_start3A_726 : memref<1x128xi32, #tpu.memory_space<vmem>> -> memref<128xi32, #tpu.memory_space<vmem>>
      %dma_start3A_728 = arith.constant 0 : i32
      %dma_start3A_729 = arith.constant 0 : i32
      %dma_start3A_730 = tpu.memref_slice %arg2[%dma_start3A_728, %dma_start3A_729] : memref<1000000x64xf32, #tpu.memory_space<hbm>> -> memref<1000000x64xf32, #tpu.memory_space<hbm>>
      tpu.enqueue_indirect_dma source(%dma_start3A_730 : memref<1000000x64xf32, #tpu.memory_space<hbm>>) target(%dma_start3A_724 : memref<128x64xf32, #tpu.memory_space<vmem>>) offsets(%dma_start3A_727 : memref<128xi32, #tpu.memory_space<vmem>>) semaphore(%arg10 : memref<!tpu.dma_semaphore, #tpu.memory_space<semaphore_mem>>)
      %add3A_731 = arith.constant 2 : i32
      %add3A_732 = arith.addi %add3A_502, %add3A_731 : i32
      %dma_wait3A_733 = arith.constant 0 : i32
      %dma_wait3A_734 = arith.constant 0 : i32
      %dma_wait3A_735 = tpu.memref_slice %arg6[%dma_wait3A_733, %dma_wait3A_734] : memref<512x64xf32, #tpu.memory_space<vmem>> -> memref<128x64xf32, #tpu.memory_space<vmem>>
      %dma_wait3A_736 = arith.constant 0 : i32
      %dma_wait3A_737 = arith.constant 0 : i32
      %dma_wait3A_738 = tpu.memref_slice %arg2[%dma_wait3A_736, %dma_wait3A_737] : memref<1000000x64xf32, #tpu.memory_space<hbm>> -> memref<128x64xf32, #tpu.memory_space<hbm>>
      %dma_wait3A_739 = arith.constant 0 : i32
      %dma_wait3A_740 = arith.constant 0 : i32
      %dma_wait3A_741 = tpu.memref_slice %arg6[%dma_wait3A_739, %dma_wait3A_740] : memref<512x64xf32, #tpu.memory_space<vmem>> -> memref<128x64xf32, #tpu.memory_space<vmem>>
      %dma_wait3A_742 = arith.constant 0 : i32
      %dma_wait3A_743 = arith.constant 0 : i32
      %dma_wait3A_744 = tpu.memref_slice %arg2[%dma_wait3A_742, %dma_wait3A_743] : memref<1000000x64xf32, #tpu.memory_space<hbm>> -> memref<128x64xf32, #tpu.memory_space<hbm>>
      tpu.wait_dma2 semaphore(%arg9 : memref<!tpu.dma_semaphore, #tpu.memory_space<semaphore_mem>>) src(%dma_wait3A_744 : memref<128x64xf32, #tpu.memory_space<hbm>>) dst(%dma_wait3A_741 : memref<128x64xf32, #tpu.memory_space<vmem>>)
      %dma_wait3A_745 = arith.constant 128 : i32
      %dma_wait3A_746 = arith.constant 0 : i32
      %dma_wait3A_747 = tpu.memref_slice %arg6[%dma_wait3A_745, %dma_wait3A_746] : memref<512x64xf32, #tpu.memory_space<vmem>> -> memref<128x64xf32, #tpu.memory_space<vmem>>
      %dma_wait3A_748 = arith.constant 0 : i32
      %dma_wait3A_749 = arith.constant 0 : i32
      %dma_wait3A_750 = tpu.memref_slice %arg2[%dma_wait3A_748, %dma_wait3A_749] : memref<1000000x64xf32, #tpu.memory_space<hbm>> -> memref<128x64xf32, #tpu.memory_space<hbm>>
      %dma_wait3A_751 = arith.constant 128 : i32
      %dma_wait3A_752 = arith.constant 0 : i32
      %dma_wait3A_753 = tpu.memref_slice %arg6[%dma_wait3A_751, %dma_wait3A_752] : memref<512x64xf32, #tpu.memory_space<vmem>> -> memref<128x64xf32, #tpu.memory_space<vmem>>
      %dma_wait3A_754 = arith.constant 0 : i32
      %dma_wait3A_755 = arith.constant 0 : i32
      %dma_wait3A_756 = tpu.memref_slice %arg2[%dma_wait3A_754, %dma_wait3A_755] : memref<1000000x64xf32, #tpu.memory_space<hbm>> -> memref<128x64xf32, #tpu.memory_space<hbm>>
      tpu.wait_dma2 semaphore(%arg9 : memref<!tpu.dma_semaphore, #tpu.memory_space<semaphore_mem>>) src(%dma_wait3A_756 : memref<128x64xf32, #tpu.memory_space<hbm>>) dst(%dma_wait3A_753 : memref<128x64xf32, #tpu.memory_space<vmem>>)
      %dma_wait3A_757 = arith.constant 256 : i32
      %dma_wait3A_758 = arith.constant 0 : i32
      %dma_wait3A_759 = tpu.memref_slice %arg6[%dma_wait3A_757, %dma_wait3A_758] : memref<512x64xf32, #tpu.memory_space<vmem>> -> memref<128x64xf32, #tpu.memory_space<vmem>>
      %dma_wait3A_760 = arith.constant 0 : i32
      %dma_wait3A_761 = arith.constant 0 : i32
      %dma_wait3A_762 = tpu.memref_slice %arg2[%dma_wait3A_760, %dma_wait3A_761] : memref<1000000x64xf32, #tpu.memory_space<hbm>> -> memref<128x64xf32, #tpu.memory_space<hbm>>
      %dma_wait3A_763 = arith.constant 256 : i32
      %dma_wait3A_764 = arith.constant 0 : i32
      %dma_wait3A_765 = tpu.memref_slice %arg6[%dma_wait3A_763, %dma_wait3A_764] : memref<512x64xf32, #tpu.memory_space<vmem>> -> memref<128x64xf32, #tpu.memory_space<vmem>>
      %dma_wait3A_766 = arith.constant 0 : i32
      %dma_wait3A_767 = arith.constant 0 : i32
      %dma_wait3A_768 = tpu.memref_slice %arg2[%dma_wait3A_766, %dma_wait3A_767] : memref<1000000x64xf32, #tpu.memory_space<hbm>> -> memref<128x64xf32, #tpu.memory_space<hbm>>
      tpu.wait_dma2 semaphore(%arg9 : memref<!tpu.dma_semaphore, #tpu.memory_space<semaphore_mem>>) src(%dma_wait3A_768 : memref<128x64xf32, #tpu.memory_space<hbm>>) dst(%dma_wait3A_765 : memref<128x64xf32, #tpu.memory_space<vmem>>)
      %dma_wait3A_769 = arith.constant 384 : i32
      %dma_wait3A_770 = arith.constant 0 : i32
      %dma_wait3A_771 = tpu.memref_slice %arg6[%dma_wait3A_769, %dma_wait3A_770] : memref<512x64xf32, #tpu.memory_space<vmem>> -> memref<128x64xf32, #tpu.memory_space<vmem>>
      %dma_wait3A_772 = arith.constant 0 : i32
      %dma_wait3A_773 = arith.constant 0 : i32
      %dma_wait3A_774 = tpu.memref_slice %arg2[%dma_wait3A_772, %dma_wait3A_773] : memref<1000000x64xf32, #tpu.memory_space<hbm>> -> memref<128x64xf32, #tpu.memory_space<hbm>>
      %dma_wait3A_775 = arith.constant 384 : i32
      %dma_wait3A_776 = arith.constant 0 : i32
      %dma_wait3A_777 = tpu.memref_slice %arg6[%dma_wait3A_775, %dma_wait3A_776] : memref<512x64xf32, #tpu.memory_space<vmem>> -> memref<128x64xf32, #tpu.memory_space<vmem>>
      %dma_wait3A_778 = arith.constant 0 : i32
      %dma_wait3A_779 = arith.constant 0 : i32
      %dma_wait3A_780 = tpu.memref_slice %arg2[%dma_wait3A_778, %dma_wait3A_779] : memref<1000000x64xf32, #tpu.memory_space<hbm>> -> memref<128x64xf32, #tpu.memory_space<hbm>>
      tpu.wait_dma2 semaphore(%arg9 : memref<!tpu.dma_semaphore, #tpu.memory_space<semaphore_mem>>) src(%dma_wait3A_780 : memref<128x64xf32, #tpu.memory_space<hbm>>) dst(%dma_wait3A_777 : memref<128x64xf32, #tpu.memory_space<vmem>>)
      %mul3A_781 = arith.constant 512 : i32
      %mul3A_782 = arith.muli %add3A_732, %mul3A_781 : i32
      %add3A_783 = arith.addi %mul3A_4, %mul3A_782 : i32
      %dma_start3A_784 = arith.constant 0 : i32
      %dma_start3A_785 = tpu.memref_slice %arg4[%add3A_783, %dma_start3A_784] : memref<819200x64xf32, #tpu.memory_space<hbm>> -> memref<512x64xf32, #tpu.memory_space<hbm>>
      %dma_start3A_786 = arith.constant 0 : i32
      %dma_start3A_787 = tpu.memref_slice %arg4[%add3A_783, %dma_start3A_786] : memref<819200x64xf32, #tpu.memory_space<hbm>> -> memref<512x64xf32, #tpu.memory_space<hbm>>
      tpu.enqueue_dma source(%arg6 : memref<512x64xf32, #tpu.memory_space<vmem>>) target(%dma_start3A_787 : memref<512x64xf32, #tpu.memory_space<hbm>>) target_semaphore(%arg12 : memref<!tpu.dma_semaphore, #tpu.memory_space<semaphore_mem>>)
      %dma_wait3A_788 = arith.constant 0 : i32
      %dma_wait3A_789 = tpu.memref_slice %arg4[%mul3A_4, %dma_wait3A_788] : memref<819200x64xf32, #tpu.memory_space<hbm>> -> memref<512x64xf32, #tpu.memory_space<hbm>>
      %dma_wait3A_790 = arith.constant 0 : i32
      %dma_wait3A_791 = tpu.memref_slice %arg4[%mul3A_4, %dma_wait3A_790] : memref<819200x64xf32, #tpu.memory_space<hbm>> -> memref<512x64xf32, #tpu.memory_space<hbm>>
      tpu.wait_dma2 semaphore(%arg14 : memref<!tpu.dma_semaphore, #tpu.memory_space<semaphore_mem>>) src(%arg8 : memref<512x64xf32, #tpu.memory_space<vmem>>) dst(%dma_wait3A_791 : memref<512x64xf32, #tpu.memory_space<hbm>>)
      %add3A_792 = arith.constant 2 : i32
      %add3A_793 = arith.addi %add3A_732, %add3A_792 : i32
      %mul3A_794 = arith.constant 4 : i32
      %mul3A_795 = arith.muli %add3A_793, %mul3A_794 : i32
      %add3A_796 = arith.constant 0 : i32
      %add3A_797 = arith.addi %mul3A_795, %add3A_796 : i32
      %dma_start3A_798 = arith.constant 0 : i32
      %dma_start3A_799 = arith.constant 0 : i32
      %dma_start3A_800 = tpu.memref_slice %arg8[%dma_start3A_798, %dma_start3A_799] : memref<512x64xf32, #tpu.memory_space<vmem>> -> memref<128x64xf32, #tpu.memory_space<vmem>>
      %dma_start3A_801 = arith.constant 0 : i32
      %dma_start3A_802 = tpu.memref_slice %arg5[%add3A_797, %dma_start3A_801] : memref<200x128xi32, #tpu.memory_space<vmem>> -> memref<1x128xi32, #tpu.memory_space<vmem>>
      %dma_start3A_803 = tpu.memref_squeeze %dma_start3A_802 : memref<1x128xi32, #tpu.memory_space<vmem>> -> memref<128xi32, #tpu.memory_space<vmem>>
      %dma_start3A_804 = arith.constant 0 : i32
      %dma_start3A_805 = arith.constant 0 : i32
      %dma_start3A_806 = tpu.memref_slice %arg2[%dma_start3A_804, %dma_start3A_805] : memref<1000000x64xf32, #tpu.memory_space<hbm>> -> memref<1000000x64xf32, #tpu.memory_space<hbm>>
      tpu.enqueue_indirect_dma source(%dma_start3A_806 : memref<1000000x64xf32, #tpu.memory_space<hbm>>) target(%dma_start3A_800 : memref<128x64xf32, #tpu.memory_space<vmem>>) offsets(%dma_start3A_803 : memref<128xi32, #tpu.memory_space<vmem>>) semaphore(%arg11 : memref<!tpu.dma_semaphore, #tpu.memory_space<semaphore_mem>>)
      %mul3A_807 = arith.constant 4 : i32
      %mul3A_808 = arith.muli %add3A_793, %mul3A_807 : i32
      %add3A_809 = arith.constant 1 : i32
      %add3A_810 = arith.addi %mul3A_808, %add3A_809 : i32
      %dma_start3A_811 = arith.constant 128 : i32
      %dma_start3A_812 = arith.constant 0 : i32
      %dma_start3A_813 = tpu.memref_slice %arg8[%dma_start3A_811, %dma_start3A_812] : memref<512x64xf32, #tpu.memory_space<vmem>> -> memref<128x64xf32, #tpu.memory_space<vmem>>
      %dma_start3A_814 = arith.constant 0 : i32
      %dma_start3A_815 = tpu.memref_slice %arg5[%add3A_810, %dma_start3A_814] : memref<200x128xi32, #tpu.memory_space<vmem>> -> memref<1x128xi32, #tpu.memory_space<vmem>>
      %dma_start3A_816 = tpu.memref_squeeze %dma_start3A_815 : memref<1x128xi32, #tpu.memory_space<vmem>> -> memref<128xi32, #tpu.memory_space<vmem>>
      %dma_start3A_817 = arith.constant 0 : i32
      %dma_start3A_818 = arith.constant 0 : i32
      %dma_start3A_819 = tpu.memref_slice %arg2[%dma_start3A_817, %dma_start3A_818] : memref<1000000x64xf32, #tpu.memory_space<hbm>> -> memref<1000000x64xf32, #tpu.memory_space<hbm>>
      tpu.enqueue_indirect_dma source(%dma_start3A_819 : memref<1000000x64xf32, #tpu.memory_space<hbm>>) target(%dma_start3A_813 : memref<128x64xf32, #tpu.memory_space<vmem>>) offsets(%dma_start3A_816 : memref<128xi32, #tpu.memory_space<vmem>>) semaphore(%arg11 : memref<!tpu.dma_semaphore, #tpu.memory_space<semaphore_mem>>)
      %mul3A_820 = arith.constant 4 : i32
      %mul3A_821 = arith.muli %add3A_793, %mul3A_820 : i32
      %add3A_822 = arith.constant 2 : i32
      %add3A_823 = arith.addi %mul3A_821, %add3A_822 : i32
      %dma_start3A_824 = arith.constant 256 : i32
      %dma_start3A_825 = arith.constant 0 : i32
      %dma_start3A_826 = tpu.memref_slice %arg8[%dma_start3A_824, %dma_start3A_825] : memref<512x64xf32, #tpu.memory_space<vmem>> -> memref<128x64xf32, #tpu.memory_space<vmem>>
      %dma_start3A_827 = arith.constant 0 : i32
      %dma_start3A_828 = tpu.memref_slice %arg5[%add3A_823, %dma_start3A_827] : memref<200x128xi32, #tpu.memory_space<vmem>> -> memref<1x128xi32, #tpu.memory_space<vmem>>
      %dma_start3A_829 = tpu.memref_squeeze %dma_start3A_828 : memref<1x128xi32, #tpu.memory_space<vmem>> -> memref<128xi32, #tpu.memory_space<vmem>>
      %dma_start3A_830 = arith.constant 0 : i32
      %dma_start3A_831 = arith.constant 0 : i32
      %dma_start3A_832 = tpu.memref_slice %arg2[%dma_start3A_830, %dma_start3A_831] : memref<1000000x64xf32, #tpu.memory_space<hbm>> -> memref<1000000x64xf32, #tpu.memory_space<hbm>>
      tpu.enqueue_indirect_dma source(%dma_start3A_832 : memref<1000000x64xf32, #tpu.memory_space<hbm>>) target(%dma_start3A_826 : memref<128x64xf32, #tpu.memory_space<vmem>>) offsets(%dma_start3A_829 : memref<128xi32, #tpu.memory_space<vmem>>) semaphore(%arg11 : memref<!tpu.dma_semaphore, #tpu.memory_space<semaphore_mem>>)
      %mul3A_833 = arith.constant 4 : i32
      %mul3A_834 = arith.muli %add3A_793, %mul3A_833 : i32
      %add3A_835 = arith.constant 3 : i32
      %add3A_836 = arith.addi %mul3A_834, %add3A_835 : i32
      %dma_start3A_837 = arith.constant 384 : i32
      %dma_start3A_838 = arith.constant 0 : i32
      %dma_start3A_839 = tpu.memref_slice %arg8[%dma_start3A_837, %dma_start3A_838] : memref<512x64xf32, #tpu.memory_space<vmem>> -> memref<128x64xf32, #tpu.memory_space<vmem>>
      %dma_start3A_840 = arith.constant 0 : i32
      %dma_start3A_841 = tpu.memref_slice %arg5[%add3A_836, %dma_start3A_840] : memref<200x128xi32, #tpu.memory_space<vmem>> -> memref<1x128xi32, #tpu.memory_space<vmem>>
      %dma_start3A_842 = tpu.memref_squeeze %dma_start3A_841 : memref<1x128xi32, #tpu.memory_space<vmem>> -> memref<128xi32, #tpu.memory_space<vmem>>
      %dma_start3A_843 = arith.constant 0 : i32
      %dma_start3A_844 = arith.constant 0 : i32
      %dma_start3A_845 = tpu.memref_slice %arg2[%dma_start3A_843, %dma_start3A_844] : memref<1000000x64xf32, #tpu.memory_space<hbm>> -> memref<1000000x64xf32, #tpu.memory_space<hbm>>
      tpu.enqueue_indirect_dma source(%dma_start3A_845 : memref<1000000x64xf32, #tpu.memory_space<hbm>>) target(%dma_start3A_839 : memref<128x64xf32, #tpu.memory_space<vmem>>) offsets(%dma_start3A_842 : memref<128xi32, #tpu.memory_space<vmem>>) semaphore(%arg11 : memref<!tpu.dma_semaphore, #tpu.memory_space<semaphore_mem>>)
    }
    %scan3A_181 = arith.constant 15 : i32
    %dma_wait3A_182 = arith.constant 0 : i32
    %dma_wait3A_183 = arith.constant 0 : i32
    %dma_wait3A_184 = tpu.memref_slice %arg7[%dma_wait3A_182, %dma_wait3A_183] : memref<512x64xf32, #tpu.memory_space<vmem>> -> memref<128x64xf32, #tpu.memory_space<vmem>>
    %dma_wait3A_185 = arith.constant 0 : i32
    %dma_wait3A_186 = arith.constant 0 : i32
    %dma_wait3A_187 = tpu.memref_slice %arg2[%dma_wait3A_185, %dma_wait3A_186] : memref<1000000x64xf32, #tpu.memory_space<hbm>> -> memref<128x64xf32, #tpu.memory_space<hbm>>
    %dma_wait3A_188 = arith.constant 0 : i32
    %dma_wait3A_189 = arith.constant 0 : i32
    %dma_wait3A_190 = tpu.memref_slice %arg7[%dma_wait3A_188, %dma_wait3A_189] : memref<512x64xf32, #tpu.memory_space<vmem>> -> memref<128x64xf32, #tpu.memory_space<vmem>>
    %dma_wait3A_191 = arith.constant 0 : i32
    %dma_wait3A_192 = arith.constant 0 : i32
    %dma_wait3A_193 = tpu.memref_slice %arg2[%dma_wait3A_191, %dma_wait3A_192] : memref<1000000x64xf32, #tpu.memory_space<hbm>> -> memref<128x64xf32, #tpu.memory_space<hbm>>
    tpu.wait_dma2 semaphore(%arg10 : memref<!tpu.dma_semaphore, #tpu.memory_space<semaphore_mem>>) src(%dma_wait3A_193 : memref<128x64xf32, #tpu.memory_space<hbm>>) dst(%dma_wait3A_190 : memref<128x64xf32, #tpu.memory_space<vmem>>)
    %dma_wait3A_194 = arith.constant 128 : i32
    %dma_wait3A_195 = arith.constant 0 : i32
    %dma_wait3A_196 = tpu.memref_slice %arg7[%dma_wait3A_194, %dma_wait3A_195] : memref<512x64xf32, #tpu.memory_space<vmem>> -> memref<128x64xf32, #tpu.memory_space<vmem>>
    %dma_wait3A_197 = arith.constant 0 : i32
    %dma_wait3A_198 = arith.constant 0 : i32
    %dma_wait3A_199 = tpu.memref_slice %arg2[%dma_wait3A_197, %dma_wait3A_198] : memref<1000000x64xf32, #tpu.memory_space<hbm>> -> memref<128x64xf32, #tpu.memory_space<hbm>>
    %dma_wait3A_200 = arith.constant 128 : i32
    %dma_wait3A_201 = arith.constant 0 : i32
    %dma_wait3A_202 = tpu.memref_slice %arg7[%dma_wait3A_200, %dma_wait3A_201] : memref<512x64xf32, #tpu.memory_space<vmem>> -> memref<128x64xf32, #tpu.memory_space<vmem>>
    %dma_wait3A_203 = arith.constant 0 : i32
    %dma_wait3A_204 = arith.constant 0 : i32
    %dma_wait3A_205 = tpu.memref_slice %arg2[%dma_wait3A_203, %dma_wait3A_204] : memref<1000000x64xf32, #tpu.memory_space<hbm>> -> memref<128x64xf32, #tpu.memory_space<hbm>>
    tpu.wait_dma2 semaphore(%arg10 : memref<!tpu.dma_semaphore, #tpu.memory_space<semaphore_mem>>) src(%dma_wait3A_205 : memref<128x64xf32, #tpu.memory_space<hbm>>) dst(%dma_wait3A_202 : memref<128x64xf32, #tpu.memory_space<vmem>>)
    %dma_wait3A_206 = arith.constant 256 : i32
    %dma_wait3A_207 = arith.constant 0 : i32
    %dma_wait3A_208 = tpu.memref_slice %arg7[%dma_wait3A_206, %dma_wait3A_207] : memref<512x64xf32, #tpu.memory_space<vmem>> -> memref<128x64xf32, #tpu.memory_space<vmem>>
    %dma_wait3A_209 = arith.constant 0 : i32
    %dma_wait3A_210 = arith.constant 0 : i32
    %dma_wait3A_211 = tpu.memref_slice %arg2[%dma_wait3A_209, %dma_wait3A_210] : memref<1000000x64xf32, #tpu.memory_space<hbm>> -> memref<128x64xf32, #tpu.memory_space<hbm>>
    %dma_wait3A_212 = arith.constant 256 : i32
    %dma_wait3A_213 = arith.constant 0 : i32
    %dma_wait3A_214 = tpu.memref_slice %arg7[%dma_wait3A_212, %dma_wait3A_213] : memref<512x64xf32, #tpu.memory_space<vmem>> -> memref<128x64xf32, #tpu.memory_space<vmem>>
    %dma_wait3A_215 = arith.constant 0 : i32
    %dma_wait3A_216 = arith.constant 0 : i32
    %dma_wait3A_217 = tpu.memref_slice %arg2[%dma_wait3A_215, %dma_wait3A_216] : memref<1000000x64xf32, #tpu.memory_space<hbm>> -> memref<128x64xf32, #tpu.memory_space<hbm>>
    tpu.wait_dma2 semaphore(%arg10 : memref<!tpu.dma_semaphore, #tpu.memory_space<semaphore_mem>>) src(%dma_wait3A_217 : memref<128x64xf32, #tpu.memory_space<hbm>>) dst(%dma_wait3A_214 : memref<128x64xf32, #tpu.memory_space<vmem>>)
    %dma_wait3A_218 = arith.constant 384 : i32
    %dma_wait3A_219 = arith.constant 0 : i32
    %dma_wait3A_220 = tpu.memref_slice %arg7[%dma_wait3A_218, %dma_wait3A_219] : memref<512x64xf32, #tpu.memory_space<vmem>> -> memref<128x64xf32, #tpu.memory_space<vmem>>
    %dma_wait3A_221 = arith.constant 0 : i32
    %dma_wait3A_222 = arith.constant 0 : i32
    %dma_wait3A_223 = tpu.memref_slice %arg2[%dma_wait3A_221, %dma_wait3A_222] : memref<1000000x64xf32, #tpu.memory_space<hbm>> -> memref<128x64xf32, #tpu.memory_space<hbm>>
    %dma_wait3A_224 = arith.constant 384 : i32
    %dma_wait3A_225 = arith.constant 0 : i32
    %dma_wait3A_226 = tpu.memref_slice %arg7[%dma_wait3A_224, %dma_wait3A_225] : memref<512x64xf32, #tpu.memory_space<vmem>> -> memref<128x64xf32, #tpu.memory_space<vmem>>
    %dma_wait3A_227 = arith.constant 0 : i32
    %dma_wait3A_228 = arith.constant 0 : i32
    %dma_wait3A_229 = tpu.memref_slice %arg2[%dma_wait3A_227, %dma_wait3A_228] : memref<1000000x64xf32, #tpu.memory_space<hbm>> -> memref<128x64xf32, #tpu.memory_space<hbm>>
    tpu.wait_dma2 semaphore(%arg10 : memref<!tpu.dma_semaphore, #tpu.memory_space<semaphore_mem>>) src(%dma_wait3A_229 : memref<128x64xf32, #tpu.memory_space<hbm>>) dst(%dma_wait3A_226 : memref<128x64xf32, #tpu.memory_space<vmem>>)
    %add3A_230 = arith.constant 23552 : i32
    %add3A_231 = arith.addi %mul3A_4, %add3A_230 : i32
    %dma_start3A_232 = arith.constant 0 : i32
    %dma_start3A_233 = tpu.memref_slice %arg4[%add3A_231, %dma_start3A_232] : memref<819200x64xf32, #tpu.memory_space<hbm>> -> memref<512x64xf32, #tpu.memory_space<hbm>>
    %dma_start3A_234 = arith.constant 0 : i32
    %dma_start3A_235 = tpu.memref_slice %arg4[%add3A_231, %dma_start3A_234] : memref<819200x64xf32, #tpu.memory_space<hbm>> -> memref<512x64xf32, #tpu.memory_space<hbm>>
    tpu.enqueue_dma source(%arg7 : memref<512x64xf32, #tpu.memory_space<vmem>>) target(%dma_start3A_235 : memref<512x64xf32, #tpu.memory_space<hbm>>) target_semaphore(%arg13 : memref<!tpu.dma_semaphore, #tpu.memory_space<semaphore_mem>>)
    %dma_wait3A_236 = arith.constant 0 : i32
    %dma_wait3A_237 = tpu.memref_slice %arg4[%mul3A_4, %dma_wait3A_236] : memref<819200x64xf32, #tpu.memory_space<hbm>> -> memref<512x64xf32, #tpu.memory_space<hbm>>
    %dma_wait3A_238 = arith.constant 0 : i32
    %dma_wait3A_239 = tpu.memref_slice %arg4[%mul3A_4, %dma_wait3A_238] : memref<819200x64xf32, #tpu.memory_space<hbm>> -> memref<512x64xf32, #tpu.memory_space<hbm>>
    tpu.wait_dma2 semaphore(%arg12 : memref<!tpu.dma_semaphore, #tpu.memory_space<semaphore_mem>>) src(%arg6 : memref<512x64xf32, #tpu.memory_space<vmem>>) dst(%dma_wait3A_239 : memref<512x64xf32, #tpu.memory_space<hbm>>)
    %dma_start3A_240 = arith.constant 192 : i32
    %dma_start3A_241 = arith.constant 0 : i32
    %dma_start3A_242 = arith.constant 0 : i32
    %dma_start3A_243 = tpu.memref_slice %arg6[%dma_start3A_241, %dma_start3A_242] : memref<512x64xf32, #tpu.memory_space<vmem>> -> memref<128x64xf32, #tpu.memory_space<vmem>>
    %dma_start3A_244 = arith.constant 0 : i32
    %dma_start3A_245 = tpu.memref_slice %arg5[%dma_start3A_240, %dma_start3A_244] : memref<200x128xi32, #tpu.memory_space<vmem>> -> memref<1x128xi32, #tpu.memory_space<vmem>>
    %dma_start3A_246 = tpu.memref_squeeze %dma_start3A_245 : memref<1x128xi32, #tpu.memory_space<vmem>> -> memref<128xi32, #tpu.memory_space<vmem>>
    %dma_start3A_247 = arith.constant 0 : i32
    %dma_start3A_248 = arith.constant 0 : i32
    %dma_start3A_249 = tpu.memref_slice %arg2[%dma_start3A_247, %dma_start3A_248] : memref<1000000x64xf32, #tpu.memory_space<hbm>> -> memref<1000000x64xf32, #tpu.memory_space<hbm>>
    tpu.enqueue_indirect_dma source(%dma_start3A_249 : memref<1000000x64xf32, #tpu.memory_space<hbm>>) target(%dma_start3A_243 : memref<128x64xf32, #tpu.memory_space<vmem>>) offsets(%dma_start3A_246 : memref<128xi32, #tpu.memory_space<vmem>>) semaphore(%arg9 : memref<!tpu.dma_semaphore, #tpu.memory_space<semaphore_mem>>)
    %dma_start3A_250 = arith.constant 193 : i32
    %dma_start3A_251 = arith.constant 128 : i32
    %dma_start3A_252 = arith.constant 0 : i32
    %dma_start3A_253 = tpu.memref_slice %arg6[%dma_start3A_251, %dma_start3A_252] : memref<512x64xf32, #tpu.memory_space<vmem>> -> memref<128x64xf32, #tpu.memory_space<vmem>>
    %dma_start3A_254 = arith.constant 0 : i32
    %dma_start3A_255 = tpu.memref_slice %arg5[%dma_start3A_250, %dma_start3A_254] : memref<200x128xi32, #tpu.memory_space<vmem>> -> memref<1x128xi32, #tpu.memory_space<vmem>>
    %dma_start3A_256 = tpu.memref_squeeze %dma_start3A_255 : memref<1x128xi32, #tpu.memory_space<vmem>> -> memref<128xi32, #tpu.memory_space<vmem>>
    %dma_start3A_257 = arith.constant 0 : i32
    %dma_start3A_258 = arith.constant 0 : i32
    %dma_start3A_259 = tpu.memref_slice %arg2[%dma_start3A_257, %dma_start3A_258] : memref<1000000x64xf32, #tpu.memory_space<hbm>> -> memref<1000000x64xf32, #tpu.memory_space<hbm>>
    tpu.enqueue_indirect_dma source(%dma_start3A_259 : memref<1000000x64xf32, #tpu.memory_space<hbm>>) target(%dma_start3A_253 : memref<128x64xf32, #tpu.memory_space<vmem>>) offsets(%dma_start3A_256 : memref<128xi32, #tpu.memory_space<vmem>>) semaphore(%arg9 : memref<!tpu.dma_semaphore, #tpu.memory_space<semaphore_mem>>)
    %dma_start3A_260 = arith.constant 194 : i32
    %dma_start3A_261 = arith.constant 256 : i32
    %dma_start3A_262 = arith.constant 0 : i32
    %dma_start3A_263 = tpu.memref_slice %arg6[%dma_start3A_261, %dma_start3A_262] : memref<512x64xf32, #tpu.memory_space<vmem>> -> memref<128x64xf32, #tpu.memory_space<vmem>>
    %dma_start3A_264 = arith.constant 0 : i32
    %dma_start3A_265 = tpu.memref_slice %arg5[%dma_start3A_260, %dma_start3A_264] : memref<200x128xi32, #tpu.memory_space<vmem>> -> memref<1x128xi32, #tpu.memory_space<vmem>>
    %dma_start3A_266 = tpu.memref_squeeze %dma_start3A_265 : memref<1x128xi32, #tpu.memory_space<vmem>> -> memref<128xi32, #tpu.memory_space<vmem>>
    %dma_start3A_267 = arith.constant 0 : i32
    %dma_start3A_268 = arith.constant 0 : i32
    %dma_start3A_269 = tpu.memref_slice %arg2[%dma_start3A_267, %dma_start3A_268] : memref<1000000x64xf32, #tpu.memory_space<hbm>> -> memref<1000000x64xf32, #tpu.memory_space<hbm>>
    tpu.enqueue_indirect_dma source(%dma_start3A_269 : memref<1000000x64xf32, #tpu.memory_space<hbm>>) target(%dma_start3A_263 : memref<128x64xf32, #tpu.memory_space<vmem>>) offsets(%dma_start3A_266 : memref<128xi32, #tpu.memory_space<vmem>>) semaphore(%arg9 : memref<!tpu.dma_semaphore, #tpu.memory_space<semaphore_mem>>)
    %dma_start3A_270 = arith.constant 195 : i32
    %dma_start3A_271 = arith.constant 384 : i32
    %dma_start3A_272 = arith.constant 0 : i32
    %dma_start3A_273 = tpu.memref_slice %arg6[%dma_start3A_271, %dma_start3A_272] : memref<512x64xf32, #tpu.memory_space<vmem>> -> memref<128x64xf32, #tpu.memory_space<vmem>>
    %dma_start3A_274 = arith.constant 0 : i32
    %dma_start3A_275 = tpu.memref_slice %arg5[%dma_start3A_270, %dma_start3A_274] : memref<200x128xi32, #tpu.memory_space<vmem>> -> memref<1x128xi32, #tpu.memory_space<vmem>>
    %dma_start3A_276 = tpu.memref_squeeze %dma_start3A_275 : memref<1x128xi32, #tpu.memory_space<vmem>> -> memref<128xi32, #tpu.memory_space<vmem>>
    %dma_start3A_277 = arith.constant 0 : i32
    %dma_start3A_278 = arith.constant 0 : i32
    %dma_start3A_279 = tpu.memref_slice %arg2[%dma_start3A_277, %dma_start3A_278] : memref<1000000x64xf32, #tpu.memory_space<hbm>> -> memref<1000000x64xf32, #tpu.memory_space<hbm>>
    tpu.enqueue_indirect_dma source(%dma_start3A_279 : memref<1000000x64xf32, #tpu.memory_space<hbm>>) target(%dma_start3A_273 : memref<128x64xf32, #tpu.memory_space<vmem>>) offsets(%dma_start3A_276 : memref<128xi32, #tpu.memory_space<vmem>>) semaphore(%arg9 : memref<!tpu.dma_semaphore, #tpu.memory_space<semaphore_mem>>)
    %dma_wait3A_280 = arith.constant 0 : i32
    %dma_wait3A_281 = arith.constant 0 : i32
    %dma_wait3A_282 = tpu.memref_slice %arg8[%dma_wait3A_280, %dma_wait3A_281] : memref<512x64xf32, #tpu.memory_space<vmem>> -> memref<128x64xf32, #tpu.memory_space<vmem>>
    %dma_wait3A_283 = arith.constant 0 : i32
    %dma_wait3A_284 = arith.constant 0 : i32
    %dma_wait3A_285 = tpu.memref_slice %arg2[%dma_wait3A_283, %dma_wait3A_284] : memref<1000000x64xf32, #tpu.memory_space<hbm>> -> memref<128x64xf32, #tpu.memory_space<hbm>>
    %dma_wait3A_286 = arith.constant 0 : i32
    %dma_wait3A_287 = arith.constant 0 : i32
    %dma_wait3A_288 = tpu.memref_slice %arg8[%dma_wait3A_286, %dma_wait3A_287] : memref<512x64xf32, #tpu.memory_space<vmem>> -> memref<128x64xf32, #tpu.memory_space<vmem>>
    %dma_wait3A_289 = arith.constant 0 : i32
    %dma_wait3A_290 = arith.constant 0 : i32
    %dma_wait3A_291 = tpu.memref_slice %arg2[%dma_wait3A_289, %dma_wait3A_290] : memref<1000000x64xf32, #tpu.memory_space<hbm>> -> memref<128x64xf32, #tpu.memory_space<hbm>>
    tpu.wait_dma2 semaphore(%arg11 : memref<!tpu.dma_semaphore, #tpu.memory_space<semaphore_mem>>) src(%dma_wait3A_291 : memref<128x64xf32, #tpu.memory_space<hbm>>) dst(%dma_wait3A_288 : memref<128x64xf32, #tpu.memory_space<vmem>>)
    %dma_wait3A_292 = arith.constant 128 : i32
    %dma_wait3A_293 = arith.constant 0 : i32
    %dma_wait3A_294 = tpu.memref_slice %arg8[%dma_wait3A_292, %dma_wait3A_293] : memref<512x64xf32, #tpu.memory_space<vmem>> -> memref<128x64xf32, #tpu.memory_space<vmem>>
    %dma_wait3A_295 = arith.constant 0 : i32
    %dma_wait3A_296 = arith.constant 0 : i32
    %dma_wait3A_297 = tpu.memref_slice %arg2[%dma_wait3A_295, %dma_wait3A_296] : memref<1000000x64xf32, #tpu.memory_space<hbm>> -> memref<128x64xf32, #tpu.memory_space<hbm>>
    %dma_wait3A_298 = arith.constant 128 : i32
    %dma_wait3A_299 = arith.constant 0 : i32
    %dma_wait3A_300 = tpu.memref_slice %arg8[%dma_wait3A_298, %dma_wait3A_299] : memref<512x64xf32, #tpu.memory_space<vmem>> -> memref<128x64xf32, #tpu.memory_space<vmem>>
    %dma_wait3A_301 = arith.constant 0 : i32
    %dma_wait3A_302 = arith.constant 0 : i32
    %dma_wait3A_303 = tpu.memref_slice %arg2[%dma_wait3A_301, %dma_wait3A_302] : memref<1000000x64xf32, #tpu.memory_space<hbm>> -> memref<128x64xf32, #tpu.memory_space<hbm>>
    tpu.wait_dma2 semaphore(%arg11 : memref<!tpu.dma_semaphore, #tpu.memory_space<semaphore_mem>>) src(%dma_wait3A_303 : memref<128x64xf32, #tpu.memory_space<hbm>>) dst(%dma_wait3A_300 : memref<128x64xf32, #tpu.memory_space<vmem>>)
    %dma_wait3A_304 = arith.constant 256 : i32
    %dma_wait3A_305 = arith.constant 0 : i32
    %dma_wait3A_306 = tpu.memref_slice %arg8[%dma_wait3A_304, %dma_wait3A_305] : memref<512x64xf32, #tpu.memory_space<vmem>> -> memref<128x64xf32, #tpu.memory_space<vmem>>
    %dma_wait3A_307 = arith.constant 0 : i32
    %dma_wait3A_308 = arith.constant 0 : i32
    %dma_wait3A_309 = tpu.memref_slice %arg2[%dma_wait3A_307, %dma_wait3A_308] : memref<1000000x64xf32, #tpu.memory_space<hbm>> -> memref<128x64xf32, #tpu.memory_space<hbm>>
    %dma_wait3A_310 = arith.constant 256 : i32
    %dma_wait3A_311 = arith.constant 0 : i32
    %dma_wait3A_312 = tpu.memref_slice %arg8[%dma_wait3A_310, %dma_wait3A_311] : memref<512x64xf32, #tpu.memory_space<vmem>> -> memref<128x64xf32, #tpu.memory_space<vmem>>
    %dma_wait3A_313 = arith.constant 0 : i32
    %dma_wait3A_314 = arith.constant 0 : i32
    %dma_wait3A_315 = tpu.memref_slice %arg2[%dma_wait3A_313, %dma_wait3A_314] : memref<1000000x64xf32, #tpu.memory_space<hbm>> -> memref<128x64xf32, #tpu.memory_space<hbm>>
    tpu.wait_dma2 semaphore(%arg11 : memref<!tpu.dma_semaphore, #tpu.memory_space<semaphore_mem>>) src(%dma_wait3A_315 : memref<128x64xf32, #tpu.memory_space<hbm>>) dst(%dma_wait3A_312 : memref<128x64xf32, #tpu.memory_space<vmem>>)
    %dma_wait3A_316 = arith.constant 384 : i32
    %dma_wait3A_317 = arith.constant 0 : i32
    %dma_wait3A_318 = tpu.memref_slice %arg8[%dma_wait3A_316, %dma_wait3A_317] : memref<512x64xf32, #tpu.memory_space<vmem>> -> memref<128x64xf32, #tpu.memory_space<vmem>>
    %dma_wait3A_319 = arith.constant 0 : i32
    %dma_wait3A_320 = arith.constant 0 : i32
    %dma_wait3A_321 = tpu.memref_slice %arg2[%dma_wait3A_319, %dma_wait3A_320] : memref<1000000x64xf32, #tpu.memory_space<hbm>> -> memref<128x64xf32, #tpu.memory_space<hbm>>
    %dma_wait3A_322 = arith.constant 384 : i32
    %dma_wait3A_323 = arith.constant 0 : i32
    %dma_wait3A_324 = tpu.memref_slice %arg8[%dma_wait3A_322, %dma_wait3A_323] : memref<512x64xf32, #tpu.memory_space<vmem>> -> memref<128x64xf32, #tpu.memory_space<vmem>>
    %dma_wait3A_325 = arith.constant 0 : i32
    %dma_wait3A_326 = arith.constant 0 : i32
    %dma_wait3A_327 = tpu.memref_slice %arg2[%dma_wait3A_325, %dma_wait3A_326] : memref<1000000x64xf32, #tpu.memory_space<hbm>> -> memref<128x64xf32, #tpu.memory_space<hbm>>
    tpu.wait_dma2 semaphore(%arg11 : memref<!tpu.dma_semaphore, #tpu.memory_space<semaphore_mem>>) src(%dma_wait3A_327 : memref<128x64xf32, #tpu.memory_space<hbm>>) dst(%dma_wait3A_324 : memref<128x64xf32, #tpu.memory_space<vmem>>)
    %add3A_328 = arith.constant 24064 : i32
    %add3A_329 = arith.addi %mul3A_4, %add3A_328 : i32
    %dma_start3A_330 = arith.constant 0 : i32
    %dma_start3A_331 = tpu.memref_slice %arg4[%add3A_329, %dma_start3A_330] : memref<819200x64xf32, #tpu.memory_space<hbm>> -> memref<512x64xf32, #tpu.memory_space<hbm>>
    %dma_start3A_332 = arith.constant 0 : i32
    %dma_start3A_333 = tpu.memref_slice %arg4[%add3A_329, %dma_start3A_332] : memref<819200x64xf32, #tpu.memory_space<hbm>> -> memref<512x64xf32, #tpu.memory_space<hbm>>
    tpu.enqueue_dma source(%arg8 : memref<512x64xf32, #tpu.memory_space<vmem>>) target(%dma_start3A_333 : memref<512x64xf32, #tpu.memory_space<hbm>>) target_semaphore(%arg14 : memref<!tpu.dma_semaphore, #tpu.memory_space<semaphore_mem>>)
    %dma_wait3A_334 = arith.constant 0 : i32
    %dma_wait3A_335 = tpu.memref_slice %arg4[%mul3A_4, %dma_wait3A_334] : memref<819200x64xf32, #tpu.memory_space<hbm>> -> memref<512x64xf32, #tpu.memory_space<hbm>>
    %dma_wait3A_336 = arith.constant 0 : i32
    %dma_wait3A_337 = tpu.memref_slice %arg4[%mul3A_4, %dma_wait3A_336] : memref<819200x64xf32, #tpu.memory_space<hbm>> -> memref<512x64xf32, #tpu.memory_space<hbm>>
    tpu.wait_dma2 semaphore(%arg13 : memref<!tpu.dma_semaphore, #tpu.memory_space<semaphore_mem>>) src(%arg7 : memref<512x64xf32, #tpu.memory_space<vmem>>) dst(%dma_wait3A_337 : memref<512x64xf32, #tpu.memory_space<hbm>>)
    %dma_start3A_338 = arith.constant 196 : i32
    %dma_start3A_339 = arith.constant 0 : i32
    %dma_start3A_340 = arith.constant 0 : i32
    %dma_start3A_341 = tpu.memref_slice %arg7[%dma_start3A_339, %dma_start3A_340] : memref<512x64xf32, #tpu.memory_space<vmem>> -> memref<128x64xf32, #tpu.memory_space<vmem>>
    %dma_start3A_342 = arith.constant 0 : i32
    %dma_start3A_343 = tpu.memref_slice %arg5[%dma_start3A_338, %dma_start3A_342] : memref<200x128xi32, #tpu.memory_space<vmem>> -> memref<1x128xi32, #tpu.memory_space<vmem>>
    %dma_start3A_344 = tpu.memref_squeeze %dma_start3A_343 : memref<1x128xi32, #tpu.memory_space<vmem>> -> memref<128xi32, #tpu.memory_space<vmem>>
    %dma_start3A_345 = arith.constant 0 : i32
    %dma_start3A_346 = arith.constant 0 : i32
    %dma_start3A_347 = tpu.memref_slice %arg2[%dma_start3A_345, %dma_start3A_346] : memref<1000000x64xf32, #tpu.memory_space<hbm>> -> memref<1000000x64xf32, #tpu.memory_space<hbm>>
    tpu.enqueue_indirect_dma source(%dma_start3A_347 : memref<1000000x64xf32, #tpu.memory_space<hbm>>) target(%dma_start3A_341 : memref<128x64xf32, #tpu.memory_space<vmem>>) offsets(%dma_start3A_344 : memref<128xi32, #tpu.memory_space<vmem>>) semaphore(%arg10 : memref<!tpu.dma_semaphore, #tpu.memory_space<semaphore_mem>>)
    %dma_start3A_348 = arith.constant 197 : i32
    %dma_start3A_349 = arith.constant 128 : i32
    %dma_start3A_350 = arith.constant 0 : i32
    %dma_start3A_351 = tpu.memref_slice %arg7[%dma_start3A_349, %dma_start3A_350] : memref<512x64xf32, #tpu.memory_space<vmem>> -> memref<128x64xf32, #tpu.memory_space<vmem>>
    %dma_start3A_352 = arith.constant 0 : i32
    %dma_start3A_353 = tpu.memref_slice %arg5[%dma_start3A_348, %dma_start3A_352] : memref<200x128xi32, #tpu.memory_space<vmem>> -> memref<1x128xi32, #tpu.memory_space<vmem>>
    %dma_start3A_354 = tpu.memref_squeeze %dma_start3A_353 : memref<1x128xi32, #tpu.memory_space<vmem>> -> memref<128xi32, #tpu.memory_space<vmem>>
    %dma_start3A_355 = arith.constant 0 : i32
    %dma_start3A_356 = arith.constant 0 : i32
    %dma_start3A_357 = tpu.memref_slice %arg2[%dma_start3A_355, %dma_start3A_356] : memref<1000000x64xf32, #tpu.memory_space<hbm>> -> memref<1000000x64xf32, #tpu.memory_space<hbm>>
    tpu.enqueue_indirect_dma source(%dma_start3A_357 : memref<1000000x64xf32, #tpu.memory_space<hbm>>) target(%dma_start3A_351 : memref<128x64xf32, #tpu.memory_space<vmem>>) offsets(%dma_start3A_354 : memref<128xi32, #tpu.memory_space<vmem>>) semaphore(%arg10 : memref<!tpu.dma_semaphore, #tpu.memory_space<semaphore_mem>>)
    %dma_start3A_358 = arith.constant 198 : i32
    %dma_start3A_359 = arith.constant 256 : i32
    %dma_start3A_360 = arith.constant 0 : i32
    %dma_start3A_361 = tpu.memref_slice %arg7[%dma_start3A_359, %dma_start3A_360] : memref<512x64xf32, #tpu.memory_space<vmem>> -> memref<128x64xf32, #tpu.memory_space<vmem>>
    %dma_start3A_362 = arith.constant 0 : i32
    %dma_start3A_363 = tpu.memref_slice %arg5[%dma_start3A_358, %dma_start3A_362] : memref<200x128xi32, #tpu.memory_space<vmem>> -> memref<1x128xi32, #tpu.memory_space<vmem>>
    %dma_start3A_364 = tpu.memref_squeeze %dma_start3A_363 : memref<1x128xi32, #tpu.memory_space<vmem>> -> memref<128xi32, #tpu.memory_space<vmem>>
    %dma_start3A_365 = arith.constant 0 : i32
    %dma_start3A_366 = arith.constant 0 : i32
    %dma_start3A_367 = tpu.memref_slice %arg2[%dma_start3A_365, %dma_start3A_366] : memref<1000000x64xf32, #tpu.memory_space<hbm>> -> memref<1000000x64xf32, #tpu.memory_space<hbm>>
    tpu.enqueue_indirect_dma source(%dma_start3A_367 : memref<1000000x64xf32, #tpu.memory_space<hbm>>) target(%dma_start3A_361 : memref<128x64xf32, #tpu.memory_space<vmem>>) offsets(%dma_start3A_364 : memref<128xi32, #tpu.memory_space<vmem>>) semaphore(%arg10 : memref<!tpu.dma_semaphore, #tpu.memory_space<semaphore_mem>>)
    %dma_start3A_368 = arith.constant 199 : i32
    %dma_start3A_369 = arith.constant 384 : i32
    %dma_start3A_370 = arith.constant 0 : i32
    %dma_start3A_371 = tpu.memref_slice %arg7[%dma_start3A_369, %dma_start3A_370] : memref<512x64xf32, #tpu.memory_space<vmem>> -> memref<128x64xf32, #tpu.memory_space<vmem>>
    %dma_start3A_372 = arith.constant 0 : i32
    %dma_start3A_373 = tpu.memref_slice %arg5[%dma_start3A_368, %dma_start3A_372] : memref<200x128xi32, #tpu.memory_space<vmem>> -> memref<1x128xi32, #tpu.memory_space<vmem>>
    %dma_start3A_374 = tpu.memref_squeeze %dma_start3A_373 : memref<1x128xi32, #tpu.memory_space<vmem>> -> memref<128xi32, #tpu.memory_space<vmem>>
    %dma_start3A_375 = arith.constant 0 : i32
    %dma_start3A_376 = arith.constant 0 : i32
    %dma_start3A_377 = tpu.memref_slice %arg2[%dma_start3A_375, %dma_start3A_376] : memref<1000000x64xf32, #tpu.memory_space<hbm>> -> memref<1000000x64xf32, #tpu.memory_space<hbm>>
    tpu.enqueue_indirect_dma source(%dma_start3A_377 : memref<1000000x64xf32, #tpu.memory_space<hbm>>) target(%dma_start3A_371 : memref<128x64xf32, #tpu.memory_space<vmem>>) offsets(%dma_start3A_374 : memref<128xi32, #tpu.memory_space<vmem>>) semaphore(%arg10 : memref<!tpu.dma_semaphore, #tpu.memory_space<semaphore_mem>>)
    %dma_wait3A_378 = arith.constant 0 : i32
    %dma_wait3A_379 = arith.constant 0 : i32
    %dma_wait3A_380 = tpu.memref_slice %arg6[%dma_wait3A_378, %dma_wait3A_379] : memref<512x64xf32, #tpu.memory_space<vmem>> -> memref<128x64xf32, #tpu.memory_space<vmem>>
    %dma_wait3A_381 = arith.constant 0 : i32
    %dma_wait3A_382 = arith.constant 0 : i32
    %dma_wait3A_383 = tpu.memref_slice %arg2[%dma_wait3A_381, %dma_wait3A_382] : memref<1000000x64xf32, #tpu.memory_space<hbm>> -> memref<128x64xf32, #tpu.memory_space<hbm>>
    %dma_wait3A_384 = arith.constant 0 : i32
    %dma_wait3A_385 = arith.constant 0 : i32
    %dma_wait3A_386 = tpu.memref_slice %arg6[%dma_wait3A_384, %dma_wait3A_385] : memref<512x64xf32, #tpu.memory_space<vmem>> -> memref<128x64xf32, #tpu.memory_space<vmem>>
    %dma_wait3A_387 = arith.constant 0 : i32
    %dma_wait3A_388 = arith.constant 0 : i32
    %dma_wait3A_389 = tpu.memref_slice %arg2[%dma_wait3A_387, %dma_wait3A_388] : memref<1000000x64xf32, #tpu.memory_space<hbm>> -> memref<128x64xf32, #tpu.memory_space<hbm>>
    tpu.wait_dma2 semaphore(%arg9 : memref<!tpu.dma_semaphore, #tpu.memory_space<semaphore_mem>>) src(%dma_wait3A_389 : memref<128x64xf32, #tpu.memory_space<hbm>>) dst(%dma_wait3A_386 : memref<128x64xf32, #tpu.memory_space<vmem>>)
    %dma_wait3A_390 = arith.constant 128 : i32
    %dma_wait3A_391 = arith.constant 0 : i32
    %dma_wait3A_392 = tpu.memref_slice %arg6[%dma_wait3A_390, %dma_wait3A_391] : memref<512x64xf32, #tpu.memory_space<vmem>> -> memref<128x64xf32, #tpu.memory_space<vmem>>
    %dma_wait3A_393 = arith.constant 0 : i32
    %dma_wait3A_394 = arith.constant 0 : i32
    %dma_wait3A_395 = tpu.memref_slice %arg2[%dma_wait3A_393, %dma_wait3A_394] : memref<1000000x64xf32, #tpu.memory_space<hbm>> -> memref<128x64xf32, #tpu.memory_space<hbm>>
    %dma_wait3A_396 = arith.constant 128 : i32
    %dma_wait3A_397 = arith.constant 0 : i32
    %dma_wait3A_398 = tpu.memref_slice %arg6[%dma_wait3A_396, %dma_wait3A_397] : memref<512x64xf32, #tpu.memory_space<vmem>> -> memref<128x64xf32, #tpu.memory_space<vmem>>
    %dma_wait3A_399 = arith.constant 0 : i32
    %dma_wait3A_400 = arith.constant 0 : i32
    %dma_wait3A_401 = tpu.memref_slice %arg2[%dma_wait3A_399, %dma_wait3A_400] : memref<1000000x64xf32, #tpu.memory_space<hbm>> -> memref<128x64xf32, #tpu.memory_space<hbm>>
    tpu.wait_dma2 semaphore(%arg9 : memref<!tpu.dma_semaphore, #tpu.memory_space<semaphore_mem>>) src(%dma_wait3A_401 : memref<128x64xf32, #tpu.memory_space<hbm>>) dst(%dma_wait3A_398 : memref<128x64xf32, #tpu.memory_space<vmem>>)
    %dma_wait3A_402 = arith.constant 256 : i32
    %dma_wait3A_403 = arith.constant 0 : i32
    %dma_wait3A_404 = tpu.memref_slice %arg6[%dma_wait3A_402, %dma_wait3A_403] : memref<512x64xf32, #tpu.memory_space<vmem>> -> memref<128x64xf32, #tpu.memory_space<vmem>>
    %dma_wait3A_405 = arith.constant 0 : i32
    %dma_wait3A_406 = arith.constant 0 : i32
    %dma_wait3A_407 = tpu.memref_slice %arg2[%dma_wait3A_405, %dma_wait3A_406] : memref<1000000x64xf32, #tpu.memory_space<hbm>> -> memref<128x64xf32, #tpu.memory_space<hbm>>
    %dma_wait3A_408 = arith.constant 256 : i32
    %dma_wait3A_409 = arith.constant 0 : i32
    %dma_wait3A_410 = tpu.memref_slice %arg6[%dma_wait3A_408, %dma_wait3A_409] : memref<512x64xf32, #tpu.memory_space<vmem>> -> memref<128x64xf32, #tpu.memory_space<vmem>>
    %dma_wait3A_411 = arith.constant 0 : i32
    %dma_wait3A_412 = arith.constant 0 : i32
    %dma_wait3A_413 = tpu.memref_slice %arg2[%dma_wait3A_411, %dma_wait3A_412] : memref<1000000x64xf32, #tpu.memory_space<hbm>> -> memref<128x64xf32, #tpu.memory_space<hbm>>
    tpu.wait_dma2 semaphore(%arg9 : memref<!tpu.dma_semaphore, #tpu.memory_space<semaphore_mem>>) src(%dma_wait3A_413 : memref<128x64xf32, #tpu.memory_space<hbm>>) dst(%dma_wait3A_410 : memref<128x64xf32, #tpu.memory_space<vmem>>)
    %dma_wait3A_414 = arith.constant 384 : i32
    %dma_wait3A_415 = arith.constant 0 : i32
    %dma_wait3A_416 = tpu.memref_slice %arg6[%dma_wait3A_414, %dma_wait3A_415] : memref<512x64xf32, #tpu.memory_space<vmem>> -> memref<128x64xf32, #tpu.memory_space<vmem>>
    %dma_wait3A_417 = arith.constant 0 : i32
    %dma_wait3A_418 = arith.constant 0 : i32
    %dma_wait3A_419 = tpu.memref_slice %arg2[%dma_wait3A_417, %dma_wait3A_418] : memref<1000000x64xf32, #tpu.memory_space<hbm>> -> memref<128x64xf32, #tpu.memory_space<hbm>>
    %dma_wait3A_420 = arith.constant 384 : i32
    %dma_wait3A_421 = arith.constant 0 : i32
    %dma_wait3A_422 = tpu.memref_slice %arg6[%dma_wait3A_420, %dma_wait3A_421] : memref<512x64xf32, #tpu.memory_space<vmem>> -> memref<128x64xf32, #tpu.memory_space<vmem>>
    %dma_wait3A_423 = arith.constant 0 : i32
    %dma_wait3A_424 = arith.constant 0 : i32
    %dma_wait3A_425 = tpu.memref_slice %arg2[%dma_wait3A_423, %dma_wait3A_424] : memref<1000000x64xf32, #tpu.memory_space<hbm>> -> memref<128x64xf32, #tpu.memory_space<hbm>>
    tpu.wait_dma2 semaphore(%arg9 : memref<!tpu.dma_semaphore, #tpu.memory_space<semaphore_mem>>) src(%dma_wait3A_425 : memref<128x64xf32, #tpu.memory_space<hbm>>) dst(%dma_wait3A_422 : memref<128x64xf32, #tpu.memory_space<vmem>>)
    %add3A_426 = arith.constant 24576 : i32
    %add3A_427 = arith.addi %mul3A_4, %add3A_426 : i32
    %dma_start3A_428 = arith.constant 0 : i32
    %dma_start3A_429 = tpu.memref_slice %arg4[%add3A_427, %dma_start3A_428] : memref<819200x64xf32, #tpu.memory_space<hbm>> -> memref<512x64xf32, #tpu.memory_space<hbm>>
    %dma_start3A_430 = arith.constant 0 : i32
    %dma_start3A_431 = tpu.memref_slice %arg4[%add3A_427, %dma_start3A_430] : memref<819200x64xf32, #tpu.memory_space<hbm>> -> memref<512x64xf32, #tpu.memory_space<hbm>>
    tpu.enqueue_dma source(%arg6 : memref<512x64xf32, #tpu.memory_space<vmem>>) target(%dma_start3A_431 : memref<512x64xf32, #tpu.memory_space<hbm>>) target_semaphore(%arg12 : memref<!tpu.dma_semaphore, #tpu.memory_space<semaphore_mem>>)
    %dma_wait3A_432 = arith.constant 0 : i32
    %dma_wait3A_433 = tpu.memref_slice %arg4[%mul3A_4, %dma_wait3A_432] : memref<819200x64xf32, #tpu.memory_space<hbm>> -> memref<512x64xf32, #tpu.memory_space<hbm>>
    %dma_wait3A_434 = arith.constant 0 : i32
    %dma_wait3A_435 = tpu.memref_slice %arg4[%mul3A_4, %dma_wait3A_434] : memref<819200x64xf32, #tpu.memory_space<hbm>> -> memref<512x64xf32, #tpu.memory_space<hbm>>
    tpu.wait_dma2 semaphore(%arg14 : memref<!tpu.dma_semaphore, #tpu.memory_space<semaphore_mem>>) src(%arg8 : memref<512x64xf32, #tpu.memory_space<vmem>>) dst(%dma_wait3A_435 : memref<512x64xf32, #tpu.memory_space<hbm>>)
    %dma_wait3A_436 = arith.constant 0 : i32
    %dma_wait3A_437 = arith.constant 0 : i32
    %dma_wait3A_438 = tpu.memref_slice %arg7[%dma_wait3A_436, %dma_wait3A_437] : memref<512x64xf32, #tpu.memory_space<vmem>> -> memref<128x64xf32, #tpu.memory_space<vmem>>
    %dma_wait3A_439 = arith.constant 0 : i32
    %dma_wait3A_440 = arith.constant 0 : i32
    %dma_wait3A_441 = tpu.memref_slice %arg2[%dma_wait3A_439, %dma_wait3A_440] : memref<1000000x64xf32, #tpu.memory_space<hbm>> -> memref<128x64xf32, #tpu.memory_space<hbm>>
    %dma_wait3A_442 = arith.constant 0 : i32
    %dma_wait3A_443 = arith.constant 0 : i32
    %dma_wait3A_444 = tpu.memref_slice %arg7[%dma_wait3A_442, %dma_wait3A_443] : memref<512x64xf32, #tpu.memory_space<vmem>> -> memref<128x64xf32, #tpu.memory_space<vmem>>
    %dma_wait3A_445 = arith.constant 0 : i32
    %dma_wait3A_446 = arith.constant 0 : i32
    %dma_wait3A_447 = tpu.memref_slice %arg2[%dma_wait3A_445, %dma_wait3A_446] : memref<1000000x64xf32, #tpu.memory_space<hbm>> -> memref<128x64xf32, #tpu.memory_space<hbm>>
    tpu.wait_dma2 semaphore(%arg10 : memref<!tpu.dma_semaphore, #tpu.memory_space<semaphore_mem>>) src(%dma_wait3A_447 : memref<128x64xf32, #tpu.memory_space<hbm>>) dst(%dma_wait3A_444 : memref<128x64xf32, #tpu.memory_space<vmem>>)
    %dma_wait3A_448 = arith.constant 128 : i32
    %dma_wait3A_449 = arith.constant 0 : i32
    %dma_wait3A_450 = tpu.memref_slice %arg7[%dma_wait3A_448, %dma_wait3A_449] : memref<512x64xf32, #tpu.memory_space<vmem>> -> memref<128x64xf32, #tpu.memory_space<vmem>>
    %dma_wait3A_451 = arith.constant 0 : i32
    %dma_wait3A_452 = arith.constant 0 : i32
    %dma_wait3A_453 = tpu.memref_slice %arg2[%dma_wait3A_451, %dma_wait3A_452] : memref<1000000x64xf32, #tpu.memory_space<hbm>> -> memref<128x64xf32, #tpu.memory_space<hbm>>
    %dma_wait3A_454 = arith.constant 128 : i32
    %dma_wait3A_455 = arith.constant 0 : i32
    %dma_wait3A_456 = tpu.memref_slice %arg7[%dma_wait3A_454, %dma_wait3A_455] : memref<512x64xf32, #tpu.memory_space<vmem>> -> memref<128x64xf32, #tpu.memory_space<vmem>>
    %dma_wait3A_457 = arith.constant 0 : i32
    %dma_wait3A_458 = arith.constant 0 : i32
    %dma_wait3A_459 = tpu.memref_slice %arg2[%dma_wait3A_457, %dma_wait3A_458] : memref<1000000x64xf32, #tpu.memory_space<hbm>> -> memref<128x64xf32, #tpu.memory_space<hbm>>
    tpu.wait_dma2 semaphore(%arg10 : memref<!tpu.dma_semaphore, #tpu.memory_space<semaphore_mem>>) src(%dma_wait3A_459 : memref<128x64xf32, #tpu.memory_space<hbm>>) dst(%dma_wait3A_456 : memref<128x64xf32, #tpu.memory_space<vmem>>)
    %dma_wait3A_460 = arith.constant 256 : i32
    %dma_wait3A_461 = arith.constant 0 : i32
    %dma_wait3A_462 = tpu.memref_slice %arg7[%dma_wait3A_460, %dma_wait3A_461] : memref<512x64xf32, #tpu.memory_space<vmem>> -> memref<128x64xf32, #tpu.memory_space<vmem>>
    %dma_wait3A_463 = arith.constant 0 : i32
    %dma_wait3A_464 = arith.constant 0 : i32
    %dma_wait3A_465 = tpu.memref_slice %arg2[%dma_wait3A_463, %dma_wait3A_464] : memref<1000000x64xf32, #tpu.memory_space<hbm>> -> memref<128x64xf32, #tpu.memory_space<hbm>>
    %dma_wait3A_466 = arith.constant 256 : i32
    %dma_wait3A_467 = arith.constant 0 : i32
    %dma_wait3A_468 = tpu.memref_slice %arg7[%dma_wait3A_466, %dma_wait3A_467] : memref<512x64xf32, #tpu.memory_space<vmem>> -> memref<128x64xf32, #tpu.memory_space<vmem>>
    %dma_wait3A_469 = arith.constant 0 : i32
    %dma_wait3A_470 = arith.constant 0 : i32
    %dma_wait3A_471 = tpu.memref_slice %arg2[%dma_wait3A_469, %dma_wait3A_470] : memref<1000000x64xf32, #tpu.memory_space<hbm>> -> memref<128x64xf32, #tpu.memory_space<hbm>>
    tpu.wait_dma2 semaphore(%arg10 : memref<!tpu.dma_semaphore, #tpu.memory_space<semaphore_mem>>) src(%dma_wait3A_471 : memref<128x64xf32, #tpu.memory_space<hbm>>) dst(%dma_wait3A_468 : memref<128x64xf32, #tpu.memory_space<vmem>>)
    %dma_wait3A_472 = arith.constant 384 : i32
    %dma_wait3A_473 = arith.constant 0 : i32
    %dma_wait3A_474 = tpu.memref_slice %arg7[%dma_wait3A_472, %dma_wait3A_473] : memref<512x64xf32, #tpu.memory_space<vmem>> -> memref<128x64xf32, #tpu.memory_space<vmem>>
    %dma_wait3A_475 = arith.constant 0 : i32
    %dma_wait3A_476 = arith.constant 0 : i32
    %dma_wait3A_477 = tpu.memref_slice %arg2[%dma_wait3A_475, %dma_wait3A_476] : memref<1000000x64xf32, #tpu.memory_space<hbm>> -> memref<128x64xf32, #tpu.memory_space<hbm>>
    %dma_wait3A_478 = arith.constant 384 : i32
    %dma_wait3A_479 = arith.constant 0 : i32
    %dma_wait3A_480 = tpu.memref_slice %arg7[%dma_wait3A_478, %dma_wait3A_479] : memref<512x64xf32, #tpu.memory_space<vmem>> -> memref<128x64xf32, #tpu.memory_space<vmem>>
    %dma_wait3A_481 = arith.constant 0 : i32
    %dma_wait3A_482 = arith.constant 0 : i32
    %dma_wait3A_483 = tpu.memref_slice %arg2[%dma_wait3A_481, %dma_wait3A_482] : memref<1000000x64xf32, #tpu.memory_space<hbm>> -> memref<128x64xf32, #tpu.memory_space<hbm>>
    tpu.wait_dma2 semaphore(%arg10 : memref<!tpu.dma_semaphore, #tpu.memory_space<semaphore_mem>>) src(%dma_wait3A_483 : memref<128x64xf32, #tpu.memory_space<hbm>>) dst(%dma_wait3A_480 : memref<128x64xf32, #tpu.memory_space<vmem>>)
    %add3A_484 = arith.constant 25088 : i32
    %add3A_485 = arith.addi %mul3A_4, %add3A_484 : i32
    %dma_start3A_486 = arith.constant 0 : i32
    %dma_start3A_487 = tpu.memref_slice %arg4[%add3A_485, %dma_start3A_486] : memref<819200x64xf32, #tpu.memory_space<hbm>> -> memref<512x64xf32, #tpu.memory_space<hbm>>
    %dma_start3A_488 = arith.constant 0 : i32
    %dma_start3A_489 = tpu.memref_slice %arg4[%add3A_485, %dma_start3A_488] : memref<819200x64xf32, #tpu.memory_space<hbm>> -> memref<512x64xf32, #tpu.memory_space<hbm>>
    tpu.enqueue_dma source(%arg7 : memref<512x64xf32, #tpu.memory_space<vmem>>) target(%dma_start3A_489 : memref<512x64xf32, #tpu.memory_space<hbm>>) target_semaphore(%arg13 : memref<!tpu.dma_semaphore, #tpu.memory_space<semaphore_mem>>)
    %dma_wait3A_490 = arith.constant 0 : i32
    %dma_wait3A_491 = tpu.memref_slice %arg4[%mul3A_4, %dma_wait3A_490] : memref<819200x64xf32, #tpu.memory_space<hbm>> -> memref<512x64xf32, #tpu.memory_space<hbm>>
    %dma_wait3A_492 = arith.constant 0 : i32
    %dma_wait3A_493 = tpu.memref_slice %arg4[%mul3A_4, %dma_wait3A_492] : memref<819200x64xf32, #tpu.memory_space<hbm>> -> memref<512x64xf32, #tpu.memory_space<hbm>>
    tpu.wait_dma2 semaphore(%arg12 : memref<!tpu.dma_semaphore, #tpu.memory_space<semaphore_mem>>) src(%arg6 : memref<512x64xf32, #tpu.memory_space<vmem>>) dst(%dma_wait3A_493 : memref<512x64xf32, #tpu.memory_space<hbm>>)
    %dma_wait3A_494 = arith.constant 0 : i32
    %dma_wait3A_495 = tpu.memref_slice %arg4[%mul3A_4, %dma_wait3A_494] : memref<819200x64xf32, #tpu.memory_space<hbm>> -> memref<512x64xf32, #tpu.memory_space<hbm>>
    %dma_wait3A_496 = arith.constant 0 : i32
    %dma_wait3A_497 = tpu.memref_slice %arg4[%mul3A_4, %dma_wait3A_496] : memref<819200x64xf32, #tpu.memory_space<hbm>> -> memref<512x64xf32, #tpu.memory_space<hbm>>
    tpu.wait_dma2 semaphore(%arg13 : memref<!tpu.dma_semaphore, #tpu.memory_space<semaphore_mem>>) src(%arg7 : memref<512x64xf32, #tpu.memory_space<vmem>>) dst(%dma_wait3A_497 : memref<512x64xf32, #tpu.memory_space<hbm>>)
    return
  }
}

</mosaic_0001>

<sc_bundles>
// kernel: _gather.3.cloned.1.call-start
scs
__scs_entry_jumppad:
0x0: {  	(pc) =	sbr.rel $0x88, $3  }
0x1: {  	(tag) =	ssettag $0x0;
	lr =	simm.s32 $0x1  }
0x2: {  	[smem:$0x3F9F] =	sst lr;
	_ =	strace $0xD0000000  }
0x3: {  	_ = 	snop  }
0x4: {  	_ = 	snop  }
0x5: {  	_ = 	snop  }
0x6: {  	_ = 	snop  }
0x7: {  	_ = 	snop  }
__scs_overlays_trampoline_lowered:
0x8: {  	[smem:$0x3FAE] =	sst s0  }
0x9: {  	[smem:$0x3FAF] =	sst s1  }
0xa: {  	[smem:$0x3FB0] =	sst s2  }
0xb: {  	[smem:$0x3FB1] =	sst s3  }
0xc: {  	[smem:$0x3FB2] =	sst s4  }
0xd: {  	[smem:$0x3FB3] =	sst s5  }
0xe: {  	[smem:$0x3FB4] =	sst s6  }
0xf: {  	[smem:$0x3FB5] =	sst s7  }
0x10: {  	[smem:$0x3FB6] =	sst s8  }
0x11: {  	[smem:$0x3FB7] =	sst s9;
	s0 =	simm.s32 @!p0 $0x0  }
0x12: {  	s1 =	sld [smem:$0x3F9D];
	s0 =	simm.s32 @p0 $0x1  }
0x13: {  	[smem:$0x3FB8] =	sst s0;
	s0 =	simm.s32 @!p1 $0x0  }
0x14: {  	s2 =	sld [smem:$0x3F9C];
	s0 =	simm.s32 @p1 $0x1  }
0x15: {  	[smem:$0x3FB9] =	sst s0;
	s0 =	simm.s32 @!p2 $0x0  }
0x16: {  	s3 =	sld [smem:$0x3FDB];
	s0 =	simm.s32 @p2 $0x1  }
0x17: {  	s4 =	simm.s32 $0x1BF5;
	[smem:$0x3FBB] =	sst s0  }
0x18: {  	s0 =	sld [smem:$0x3F9E];
	_ =	swait.ge [sflag:s4], $0x0  }
0x19: {  	s7 =	sld [smem:$0x3F9F]  }
0x1a: {  	s8 =	sadd.s32 $0xFFFFE003, lr  }
0x1b: {  	s9 =	sadd.s32 $0xFFFFFEF7, lr;
	s5 =	simm.s32 $0xFFFFFFFF;
	p2 =	slt.u32 s8, $0xFFFFF086  }
0x1c: {  	p1 =	slt.u32 s9, $0xF7A;
	s5 =	simm.s32 @!p2 $0x0  }
0x1d: {  	s5 =	simm.s32 @p1 $0x1;
	p0 =	seq.s32 s7, s2  }
0x1e: {  	s7 =	smul.u32 @!p0 $0xF7A, s2;
	p2 =	seq.s32 @!p0 s5, $0x0  }
0x1f: {  	s9 =	smul.u32 $0xF7A, s1;
	s8 =	simm.s32 @!p0 $0x1BF5;
	p2 =	por !p2, p0  }
0x20: {  	[sflag:s8] =	ssyncset.s32 @!p0 $0xFFFFF086;
	s6 =	sadd.s32 @!p0 s3, s7;
	s7 =	simm.s32 @!p0 $0x108  }
0x21: {  	s3 =	sadd.s32 s3, s9;
	s6 =	sadd.s32 @!p0 $0x88, s6;
	s7 =	simm.s32 @p2 $0x1082  }
0x22: {  	[simem:s7], [sflag:s8] =	dma.local @!p0 [hbm:s6], $0xF7A  }
0x23: {  	s9 =	sor.u32 $0xD0000000, s2;
	s6 =	simm.s32 $0x108;
	_ =	swait.ge @!p0 [sflag:s8], $0x0  }
0x24: {  	s3 =	sadd.s32 $0x88, s3;
	s6 =	simm.s32 @!p1 $0x1082;
	[sflag:s4] =	ssyncset.s32 $0xFFFFF086  }
0x25: {  	[simem:s6], [sflag:s4] =	dma.local [hbm:s3], $0xF7A  }
0x26: {  	[smem:$0x3F9F] =	sst s1;
	(tag) =	ssettag s2;
	_ =	strace s9  }
0x27: {  	s1 =	sld [smem:$0x3FAF]  }
0x28: {  	s2 =	sld [smem:$0x3FB0]  }
0x29: {  	s4 =	sld [smem:$0x3FB2]  }
0x2a: {  	p0 =	seq.s32 s5, $0x0;
	s5 =	sld [smem:$0x3FB3]  }
0x2b: {  	s6 =	sld [smem:$0x3FB4]  }
0x2c: {  	s7 =	sld [smem:$0x3FB5]  }
0x2d: {  	s3 =	simm.s32 $0x108;
	s8 =	sld [smem:$0x3FB6]  }
0x2e: {  	s3 =	simm.s32 @!p0 $0x1082;
	s9 =	sld [smem:$0x3FB7]  }
0x2f: {  	lr =	sadd.s32 s0, s3;
	s0 =	sld [smem:$0x3FAE]  }
0x30: {  	s3 =	sld [smem:$0x3FB1]  }
0x31: {  	[smem:$0x3FBA] =	sst s10  }
0x32: {  	s10 =	sld [smem:$0x3FB8];
	_ =	sdelay $0x3  }
0x33: {  	p0 =	seq.s32 s10, $0x1;
	s10 =	sld [smem:$0x3FBA];
	_ =	sdelay $0x3  }
0x34: {  	[smem:$0x3FBA] =	sst s10  }
0x35: {  	s10 =	sld [smem:$0x3FB9];
	_ =	sdelay $0x3  }
0x36: {  	p1 =	seq.s32 s10, $0x1;
	s10 =	sld [smem:$0x3FBA];
	_ =	sdelay $0x3  }
0x37: {  	[smem:$0x3FBA] =	sst s10  }
0x38: {  	s10 =	sld [smem:$0x3FBB]  }
0x39: {  	_ = 	snop;
	(pc) =	sbr.ind lr, $3  }
0x3a: {  	_ = 	snop  }
0x3b: {  	_ = 	snop  }
0x3c: {  	p2 =	seq.s32 s10, $0x1;
	s10 =	sld [smem:$0x3FBA]  }
0x3d: {  	_ =	shalt  }
0x3e: {  	_ =	shalt  }
0x3f: {  	_ =	shalt  }
0x40: {  	_ =	shalt  }
0x41: {  	_ =	shalt  }
0x42: {  	_ =	shalt  }
0x43: {  	_ =	shalt  }
0x44: {  	_ =	shalt  }
0x45: {  	_ =	shalt  }
0x46: {  	_ =	shalt  }
0x47: {  	_ =	shalt  }
0x48: {  	_ =	shalt  }
0x49: {  	_ =	shalt  }
0x4a: {  	_ =	shalt  }
0x4b: {  	_ =	shalt  }
0x4c: {  	_ =	shalt  }
0x4d: {  	_ =	shalt  }
0x4e: {  	_ =	shalt  }
0x4f: {  	_ =	shalt  }
0x50: {  	_ =	shalt  }
0x51: {  	_ =	shalt  }
0x52: {  	_ =	shalt  }
0x53: {  	_ =	shalt  }
0x54: {  	_ =	shalt  }
0x55: {  	_ =	shalt  }
0x56: {  	_ =	shalt  }
0x57: {  	_ =	shalt  }
0x58: {  	_ =	shalt  }
0x59: {  	_ =	shalt  }
0x5a: {  	_ =	shalt  }
0x5b: {  	_ =	shalt  }
0x5c: {  	_ =	shalt  }
0x5d: {  	_ =	shalt  }
0x5e: {  	_ =	shalt  }
0x5f: {  	_ =	shalt  }
0x60: {  	_ =	shalt  }
0x61: {  	_ =	shalt  }
0x62: {  	_ =	shalt  }
0x63: {  	_ =	shalt  }
0x64: {  	_ =	shalt  }
0x65: {  	_ =	shalt  }
0x66: {  	_ =	shalt  }
0x67: {  	_ =	shalt  }
0x68: {  	_ =	shalt  }
0x69: {  	_ =	shalt  }
0x6a: {  	_ =	shalt  }
0x6b: {  	_ =	shalt  }
0x6c: {  	_ =	shalt  }
0x6d: {  	_ =	shalt  }
0x6e: {  	_ =	shalt  }
0x6f: {  	_ =	shalt  }
0x70: {  	_ =	shalt  }
0x71: {  	_ =	shalt  }
0x72: {  	_ =	shalt  }
0x73: {  	_ =	shalt  }
0x74: {  	_ =	shalt  }
0x75: {  	_ =	shalt  }
0x76: {  	_ =	shalt  }
0x77: {  	_ =	shalt  }
0x78: {  	_ =	shalt  }
0x79: {  	_ =	shalt  }
0x7a: {  	_ =	shalt  }
0x7b: {  	_ =	shalt  }
0x7c: {  	_ =	shalt  }
0x7d: {  	_ =	shalt  }
0x7e: {  	_ =	shalt  }
0x7f: {  	_ =	shalt  }
0x80: {  	_ =	shalt  }
0x81: {  	_ =	shalt  }
0x82: {  	_ =	shalt  }
0x83: {  	_ =	shalt  }
0x84: {  	_ =	shalt  }
0x85: {  	_ =	shalt  }
0x86: {  	_ =	shalt  }
0x87: {  	_ =	shalt  }
.Lfunc_end0:
.L_simem_size_0:
called_computation.1_lowered:
.L_overlay_start_0:
0x88: {  	s2 =	sld [smem:$0x3FD9]  }
0x89: {  	s3 =	sld [smem:$0x3FFE];
	_ =	sdelay $0x1  }
0x8a: {  	s1 =	srdreg.scid  }
0x8b: {  	s0 =	sand.u32 $0x1, s1  }
0x8c: {  	s17 =	sshll.u32 s0, $0xA;
	s2 =	sadd.s32 s3, s2  }
0x8d: {  	s2 =	sadd.s32 s2, s17  }
0x8e: {  	[smem:$0x3FC6] =	sst s2  }
0x8f: {  	_ = 	snop  }
0x90: {  	s2 =	sld [smem:$0x3FC8]  }
0x91: {  	s18 =	sld [smem:$0x3FD0];
	(tm) =	ssettm $0x1  }
0x92: {  	s4 =	sld [smem:$0x3FFB];
	_ =	sdelay $0x3  }
0x93: {  	_ =	strace s4  }
0x94: {  	s4 =	sld [smem:$0x3FFC];
	_ =	sdelay $0x3  }
0x95: {  	_ =	strace s4  }
0x96: {  	s4 =	sld [smem:$0x3FFD];
	_ =	sdelay $0x3  }
0x97: {  	_ =	strace s4  }
0x98: {  	_ =	strace $0x8FFFFFFF  }
0x99: {  	s19 =	sld [smem:$0x3FDB];
	_ =	sdelay $0x1  }
0x9a: {  	s5 =	simm.s32 $_scs_section_size  }
0x9b: {  	s6 =	simm.s32 $_size__tile_overlayer_lowered;
	s7 =	simm.s32 $_tile_overlayer_lowered  }
0x9c: {  	s22 =	simm.s32 $0x1BFF;
	s21 =	sshll.u32 s7, $0x1;
	s4 =	sadd.s32 s5, s19  }
0x9d: {  	s8 =	simm.s32 $0x0;
	s20 =	sshll.u32 s6, $0x1;
	s6 =	sadd.s32 s21, s4  }
0x9e: {  	[timem:s8], [sflag:s22] =	dma.local [hbm:s6], s20  }
0x9f: {  	_ =	swait.ge [sflag:s22], s20  }
0xa0: {  	s5 =	ssub.s32 $0x0, s20;
	[sflag:s22] =	ssyncset.done $0x0  }
0xa1: {  	[sflag:s22] =	ssyncadd.s32 s5;
	_ =	sdelay $0x1  }
0xa2: {  	s23 =	simm.s32 $0x1B8B  }
0xa3: {  	_ =	swait.ge [sflag:s23], $0x1  }
0xa4: {  	[sflag:s23] =	ssyncset.done $0x0  }
0xa5: {  	s25 =	simm.s32 $0x1B8E;
	s24 =	sld [smem:$0x3FFE];
	[sflag:s23] =	ssyncadd.s32 $0xFFFFFFFF  }
0xa6: {  	s26 =	simm.s32 $execute0_lowered;
	[smem:$0x3FD2] =	sst s25  }
0xa7: {  	s6 =	sshll.u32 s26, $0x1;
	_ =	strace $0x80000046;
	[dreg:$0x1] =	wrdreg $0xFFFFFFFF  }
0xa8: {  	s28 =	simm.s32 $_size_execute0_lowered;
	s4 =	sadd.s32 s4, s6;
	[dreg:$0x0] =	wrdreg $0x0  }
0xa9: {  	s6 =	sshll.u32 s28, $0x1;
	[dreg:$0x2] =	wrdreg s4  }
0xaa: {  	[dreg:$0x3] =	wrdreg s6  }
0xab: {  	[dreg:$0x4] =	wrdreg $0xC0  }
0xac: {  	_ =	task [dreg:s8], $0x5FFFF  }
0xad: {  	[dreg:$0x1] =	wrdreg $0xFFFFFFFF  }
0xae: {  	[dreg:$0x0] =	wrdreg $0x60  }
0xaf: {  	[dreg:$0x2] =	wrdreg s24  }
0xb0: {  	[dreg:$0x3] =	wrdreg s2  }
0xb1: {  	[dreg:$0x4] =	wrdreg s18  }
0xb2: {  	[dreg:$0x5] =	wrdreg $0x9  }
0xb3: {  	_ =	task.clear_ibuf [dreg:s8], $0x6FFFF;
	_ =	strace $0x90000046  }
0xb4: {  	s29 =	simm.s32 $0x9;
	_ =	strace $0x80000048  }
0xb5: {  	_ =	swait.ge [sflag:s29], $0x1  }
0xb6: {  	[sflag:s29] =	ssyncadd.s32 $0xFFFFFFFF  }
0xb7: {  	_ =	strace $0x90000048  }
0xb8: {  	_ =	sfence  }
0xb9: {  	s30 =	sld [smem:$0x0];
	_ =	sdelay $0x2  }
0xba: {  	s31 =	sshll.u32 s1, $0xD;
	s1 =	sshrl.u32 s1, $0x2  }
0xbb: {  	s3 =	sand.u32 $0x4000, s31;
	s1 =	sadd.s32 s1, s30  }
0xbc: {  	s0 =	sor.u32 s3, s0;
	s1 =	sshll.u32 s1, $0x11  }
0xbd: {  	s0 =	sor.u32 s1, s0  }
0xbe: {  	s0 =	sadd.s32 $0x8F2B, s0  }
0xbf: {  	[sflag:s0] =	ssyncadd.remote.s32 $0x1  }
0xc0: {  	_ =	sfence.sel $0xFFFF  }
0xc1: {  	[dreg:$0x0] =	wrdreg $0xFFFFFFFF;
	(pc) =	sbr.abs _section_cstart, $3  }
0xc2: {  	[dreg:$0x1] =	wrdreg $0xFFFFFFFF  }
0xc3: {  	_ =	task.clear_ibuf [dreg:s8], $0x2FFFF;
	_ =	strace $0x9FFFFFFF  }
0xc4: {  	(tm) =	ssettm $0x7FFFFFFF  }
0xc5: {  	_ =	shalt  }
tec
execute0_lowered:
.L_overlay_start_1:
0x0: {  	(tag) =	ssettag $0x1  }
0x1: {  	s0 =	rddreg [dreg:$0x0]  }
0x2: {  	s1 =	rddreg [dreg:$0x1];
	s3 =	srdreg.scid  }
0x3: {  	s10 =	stileid.u32;
	s2 =	rddreg [dreg:$0x2];
	s29 =	simm.s32 $0x12400  }
0x4: {  	s31 =	simm.s32 $0x14400;
	s28 =	simm.s32 $0x1A400;
	s17 =	smul.u32 $0xC800, s10  }
0x5: {  	s30 =	simm.s32 $0x3;
	s5 =	sand.u32 $0x1, s3;
	s21 =	smul.u32 $0x320000, s10  }
0x6: {  	s4 =	sshll.u32 s10, $0x1;
	s3 =	simm.s32 $0x0;
	s19 =	smul.u32 $0x6400, s5  }
0x7: {  	s6 =	sor.u32 s5, s4;
	s8 =	ssub.s32 $0x2, s5;
	s5 =	smul.u32 $0x190000, s5  }
0x8: {  	[smem:$0x7FF] =	sst s3;
	s4 =	sadd.s32 $0xF42C00, s0;
	s7 =	smul.u32 $0xC80, s6  }
0x9: {  	_ =	strace $0x80000047;
	s9 =	smul.u32 $0x190000, s6;
	s15 =	sshrl.u32 s8, $0x1  }
0xa: {  	s6 =	smul.u32 $0x32000, s6;
	s0 =	ssub.s32 s8, s15;
	s25 =	sadd.s32 s5, s21  }
0xb: {  	s21 =	simm.s32 $0x2;
	s5 =	simm.s32 $0x5;
	s16 =	sshrl.u32 s9, $0x3  }
0xc: {  	s1 =	sadd.s32 s1, s7;
	s6 =	sadd.s32 s2, s6;
	s7 =	sadd.s32 s19, s17  }
0xd: {  	s0 =	smax.u32 s0, $0x1;
	s14 =	sadd.s32 $0x18000, s25;
	s17 =	simm.s32 $0x6400  }
0xe: {  	s19 =	simm.s32 $0x16400;
	s25 =	simm.s32 $0x4;
	[dreg:$0x4] =	wrdreg s1  }
0xf: {  	s18 =	sadd.s32 s2, s16;
	[dreg:$0x5] =	wrdreg s6;
	s23 =	sshll.u32 s7, $0x3  }
0x10: {  	[dreg:$0xa] =	wrdreg s0;
	s16 =	simm.s32 $0x80;
	s0 =	simm.s32 $0x1C400  }
0x11: {  	s6 =	simm.s32 $0x6;
	s7 =	simm.s32 $0x0;
	s20 =	sadd.s32 $0x2E000, s18  }
0x12: {  	s8 =	sadd.s32 $0x2F000, s18;
	s22 =	sadd.s32 $0x30000, s18;
	[dreg:$0x6] =	wrdreg s20  }
0x13: {  	s1 =	sadd.s32 $0x31000, s18;
	s24 =	sadd.s32 s23, s2;
	[dreg:$0x7] =	wrdreg s8  }
0x14: {  	s18 =	simm.s32 $0x8400;
	s23 =	simm.s32 $0x18400;
	[dreg:$0x8] =	wrdreg s22  }
0x15: {  	[dreg:$0x9] =	wrdreg s1;
	s26 =	sadd.s32 $0x2000, s24;
	s13 =	sadd.s32 $0x1000, s24  }
0x16: {  	s20 =	simm.s32 $0xA400;
	s22 =	simm.s32 $0xC400;
	s24 =	simm.s32 $0xE400  }
0x17: {  	s1 =	simm.s32 $0x1;
	[dreg:$0xb] =	wrdreg s26;
	s26 =	simm.s32 $0x10400  }
.LBB2_1:
0x18: {  	s8 =	rddreg [dreg:$0x4];
	s15 =	simm.s32 $0x7  }
0x19: {  	[tilespmem:s3], [sflag:$0x7] =	stream.linear.gather [hbm4b:s8+s3], $0x6400, $0x38;
	[tilespmem:$0x1E400] =	vst v63  }
0x1a: {  	_ =	swait.ge [sflag:s15], $0x6400  }
0x1b: {  	[sflag:s15] =	ssyncset.done $0x0  }
0x1c: {  	[sflag:s15] =	ssyncadd.s32 $0xFFFF9C00  }
0x1d: {  	[tilespmem:s17], [sflag:$0x1] =	stream.indirect.gather [hbm4b:s4+s16], $0x40, s3, s16, $0xb8;
	[tilespmem:$0x1E400] =	vst v63  }
0x1e: {  	_ = 	snop  }
0x1f: {  	[tilespmem:s18], [sflag:$0x1] =	stream.indirect.gather [hbm4b:s4+s16], $0x40, s16, s16, $0xb8;
	[tilespmem:$0x1E400] =	vst v63  }
0x20: {  	s9 =	simm.s32 $0x100  }
0x21: {  	[tilespmem:s20], [sflag:$0x1] =	stream.indirect.gather [hbm4b:s4+s16], $0x40, s9, s16, $0xb8;
	[tilespmem:$0x1E400] =	vst v63  }
0x22: {  	s10 =	simm.s32 $0x180  }
0x23: {  	[tilespmem:s22], [sflag:$0x1] =	stream.indirect.gather [hbm4b:s4+s16], $0x40, s10, s16, $0xb8;
	[tilespmem:$0x1E400] =	vst v63  }
0x24: {  	s11 =	simm.s32 $0x200  }
0x25: {  	[tilespmem:s24], [sflag:$0x2] =	stream.indirect.gather [hbm4b:s4+s16], $0x40, s11, s16, $0xb8;
	[tilespmem:$0x1E400] =	vst v63  }
0x26: {  	s12 =	simm.s32 $0x280  }
0x27: {  	[tilespmem:s26], [sflag:$0x2] =	stream.indirect.gather [hbm4b:s4+s16], $0x40, s12, s16, $0xb8;
	[tilespmem:$0x1E400] =	vst v63  }
0x28: {  	s15 =	simm.s32 $0x300  }
0x29: {  	[tilespmem:s29], [sflag:$0x2] =	stream.indirect.gather [hbm4b:s4+s16], $0x40, s15, s16, $0xb8;
	[tilespmem:$0x1E400] =	vst v63  }
0x2a: {  	s9 =	simm.s32 $0x380  }
0x2b: {  	[tilespmem:s31], [sflag:$0x2] =	stream.indirect.gather [hbm4b:s4+s16], $0x40, s9, s16, $0xb8;
	[tilespmem:$0x1E400] =	vst v63  }
0x2c: {  	_ =	swait.ge [sflag:s1], $0x2000  }
0x2d: {  	[sflag:s1] =	ssyncset.done $0x0  }
0x2e: {  	[sflag:s1] =	ssyncadd.s32 $0xFFFFE000  }
0x2f: {  	_ =	swait.ge [sflag:s1], $0x2000  }
0x30: {  	[sflag:s1] =	ssyncset.done $0x0  }
0x31: {  	[sflag:s1] =	ssyncadd.s32 $0xFFFFE000  }
0x32: {  	_ =	swait.ge [sflag:s1], $0x2000  }
0x33: {  	[sflag:s1] =	ssyncset.done $0x0  }
0x34: {  	[sflag:s1] =	ssyncadd.s32 $0xFFFFE000  }
0x35: {  	_ =	swait.ge [sflag:s1], $0x2000  }
0x36: {  	[sflag:s1] =	ssyncset.done $0x0  }
0x37: {  	s10 =	rddreg [dreg:$0x5];
	[sflag:s1] =	ssyncadd.s32 $0xFFFFE000  }
0x38: {  	[hbm4b:s10+s3] =	stream.linear.scatter [tilespmem:s17], [sflag:$0x4], $0x8000, $0x38;
	[tilespmem:$0x1E400] =	vst v63  }
0x39: {  	s11 =	simm.s32 $0x400  }
0x3a: {  	[tilespmem:s19], [sflag:$0x3] =	stream.indirect.gather [hbm4b:s4+s16], $0x40, s11, s16, $0xb8;
	[tilespmem:$0x1E400] =	vst v63  }
0x3b: {  	s12 =	simm.s32 $0x480  }
0x3c: {  	[tilespmem:s23], [sflag:$0x3] =	stream.indirect.gather [hbm4b:s4+s16], $0x40, s12, s16, $0xb8;
	[tilespmem:$0x1E400] =	vst v63  }
0x3d: {  	s15 =	simm.s32 $0x500  }
0x3e: {  	[tilespmem:s28], [sflag:$0x3] =	stream.indirect.gather [hbm4b:s4+s16], $0x40, s15, s16, $0xb8;
	[tilespmem:$0x1E400] =	vst v63  }
0x3f: {  	s9 =	simm.s32 $0x580  }
0x40: {  	[tilespmem:s0], [sflag:$0x3] =	stream.indirect.gather [hbm4b:s4+s16], $0x40, s9, s16, $0xb8;
	[tilespmem:$0x1E400] =	vst v63  }
0x41: {  	_ =	swait.ge [sflag:s21], $0x2000  }
0x42: {  	[sflag:s21] =	ssyncset.done $0x0  }
0x43: {  	[sflag:s21] =	ssyncadd.s32 $0xFFFFE000  }
0x44: {  	_ =	swait.ge [sflag:s21], $0x2000  }
0x45: {  	[sflag:s21] =	ssyncset.done $0x0  }
0x46: {  	[sflag:s21] =	ssyncadd.s32 $0xFFFFE000  }
0x47: {  	_ =	swait.ge [sflag:s21], $0x2000  }
0x48: {  	[sflag:s21] =	ssyncset.done $0x0  }
0x49: {  	[sflag:s21] =	ssyncadd.s32 $0xFFFFE000  }
0x4a: {  	_ =	swait.ge [sflag:s21], $0x2000  }
0x4b: {  	[sflag:s21] =	ssyncset.done $0x0  }
0x4c: {  	[sflag:s21] =	ssyncadd.s32 $0xFFFFE000  }
0x4d: {  	[hbm4b:s13+s3] =	stream.linear.scatter [tilespmem:s24], [sflag:$0x5], $0x8000, $0x38;
	[tilespmem:$0x1E400] =	vst v63  }
0x4e: {  	_ =	swait.ge [sflag:s25], $0x8000  }
0x4f: {  	[sflag:s25] =	ssyncset.done $0x0  }
0x50: {  	s10 =	simm.s32 $0x600;
	[sflag:s25] =	ssyncadd.s32 $0xFFFF8000  }
0x51: {  	[tilespmem:s17], [sflag:$0x1] =	stream.indirect.gather [hbm4b:s4+s16], $0x40, s10, s16, $0xb8;
	[tilespmem:$0x1E400] =	vst v63  }
0x52: {  	s11 =	simm.s32 $0x680  }
0x53: {  	[tilespmem:s18], [sflag:$0x1] =	stream.indirect.gather [hbm4b:s4+s16], $0x40, s11, s16, $0xb8;
	[tilespmem:$0x1E400] =	vst v63  }
0x54: {  	s12 =	simm.s32 $0x700  }
0x55: {  	[tilespmem:s20], [sflag:$0x1] =	stream.indirect.gather [hbm4b:s4+s16], $0x40, s12, s16, $0xb8;
	[tilespmem:$0x1E400] =	vst v63  }
0x56: {  	s15 =	simm.s32 $0x780  }
0x57: {  	[tilespmem:s22], [sflag:$0x1] =	stream.indirect.gather [hbm4b:s4+s16], $0x40, s15, s16, $0xb8;
	[tilespmem:$0x1E400] =	vst v63  }
0x58: {  	_ =	swait.ge [sflag:s30], $0x2000  }
0x59: {  	[sflag:s30] =	ssyncset.done $0x0  }
0x5a: {  	[sflag:s30] =	ssyncadd.s32 $0xFFFFE000  }
0x5b: {  	_ =	swait.ge [sflag:s30], $0x2000  }
0x5c: {  	[sflag:s30] =	ssyncset.done $0x0  }
0x5d: {  	[sflag:s30] =	ssyncadd.s32 $0xFFFFE000  }
0x5e: {  	_ =	swait.ge [sflag:s30], $0x2000  }
0x5f: {  	[sflag:s30] =	ssyncset.done $0x0  }
0x60: {  	[sflag:s30] =	ssyncadd.s32 $0xFFFFE000  }
0x61: {  	_ =	swait.ge [sflag:s30], $0x2000  }
0x62: {  	[sflag:s30] =	ssyncset.done $0x0  }
0x63: {  	s10 =	rddreg [dreg:$0xb];
	[sflag:s30] =	ssyncadd.s32 $0xFFFFE000  }
0x64: {  	[hbm4b:s10+s3] =	stream.linear.scatter [tilespmem:s19], [sflag:$0x6], $0x8000, $0x38;
	[tilespmem:$0x1E400] =	vst v63  }
0x65: {  	_ =	swait.ge [sflag:s5], $0x8000  }
0x66: {  	[sflag:s5] =	ssyncset.done $0x0  }
0x67: {  	s9 =	simm.s32 $0x800;
	[sflag:s5] =	ssyncadd.s32 $0xFFFF8000  }
0x68: {  	[tilespmem:s24], [sflag:$0x2] =	stream.indirect.gather [hbm4b:s4+s16], $0x40, s9, s16, $0xb8;
	[tilespmem:$0x1E400] =	vst v63  }
0x69: {  	s11 =	simm.s32 $0x880  }
0x6a: {  	[tilespmem:s26], [sflag:$0x2] =	stream.indirect.gather [hbm4b:s4+s16], $0x40, s11, s16, $0xb8;
	[tilespmem:$0x1E400] =	vst v63  }
0x6b: {  	s12 =	simm.s32 $0x900  }
0x6c: {  	[tilespmem:s29], [sflag:$0x2] =	stream.indirect.gather [hbm4b:s4+s16], $0x40, s12, s16, $0xb8;
	[tilespmem:$0x1E400] =	vst v63  }
0x6d: {  	s15 =	simm.s32 $0x980  }
0x6e: {  	[tilespmem:s31], [sflag:$0x2] =	stream.indirect.gather [hbm4b:s4+s16], $0x40, s15, s16, $0xb8;
	[tilespmem:$0x1E400] =	vst v63  }
0x6f: {  	_ =	swait.ge [sflag:s1], $0x2000  }
0x70: {  	[sflag:s1] =	ssyncset.done $0x0  }
0x71: {  	[sflag:s1] =	ssyncadd.s32 $0xFFFFE000  }
0x72: {  	_ =	swait.ge [sflag:s1], $0x2000  }
0x73: {  	[sflag:s1] =	ssyncset.done $0x0  }
0x74: {  	[sflag:s1] =	ssyncadd.s32 $0xFFFFE000  }
0x75: {  	_ =	swait.ge [sflag:s1], $0x2000  }
0x76: {  	[sflag:s1] =	ssyncset.done $0x0  }
0x77: {  	[sflag:s1] =	ssyncadd.s32 $0xFFFFE000  }
0x78: {  	_ =	swait.ge [sflag:s1], $0x2000  }
0x79: {  	s9 =	sshrl.u32 s14, $0x3;
	[sflag:s1] =	ssyncset.done $0x0  }
0x7a: {  	s8 =	sadd.s32 s2, s9;
	[sflag:s1] =	ssyncadd.s32 $0xFFFFE000  }
0x7b: {  	[hbm4b:s8+s3] =	stream.linear.scatter [tilespmem:s17], [sflag:$0x4], $0x8000, $0x38;
	[tilespmem:$0x1E400] =	vst v63  }
0x7c: {  	_ =	swait.ge [sflag:s6], $0x8000  }
0x7d: {  	[sflag:s6] =	ssyncset.done $0x0  }
0x7e: {  	s11 =	simm.s32 $0xA00;
	[sflag:s6] =	ssyncadd.s32 $0xFFFF8000  }
0x7f: {  	[tilespmem:s19], [sflag:$0x3] =	stream.indirect.gather [hbm4b:s4+s16], $0x40, s11, s16, $0xb8;
	[tilespmem:$0x1E400] =	vst v63  }
0x80: {  	s12 =	simm.s32 $0xA80  }
0x81: {  	[tilespmem:s23], [sflag:$0x3] =	stream.indirect.gather [hbm4b:s4+s16], $0x40, s12, s16, $0xb8;
	[tilespmem:$0x1E400] =	vst v63  }
0x82: {  	s10 =	sadd.s32 $0x3000, s10;
	s9 =	sadd.s32 $0x18000, s14;
	s15 =	simm.s32 $0xB00  }
0x83: {  	[tilespmem:s28], [sflag:$0x3] =	stream.indirect.gather [hbm4b:s4+s16], $0x40, s15, s16, $0xb8;
	[tilespmem:$0x1E400] =	vst v63  }
0x84: {  	s8 =	simm.s32 $0x1800;
	s11 =	sadd.s32 $0x3000, s13;
	s15 =	simm.s32 $0xB80  }
.LBB2_2:
0x85: {  	[tilespmem:s0], [sflag:$0x3] =	stream.indirect.gather [hbm4b:s4+s16], $0x40, s15, s16, $0xb8;
	[tilespmem:$0x1E400] =	vst v63  }
0x86: {  	s15 =	smov.u32 s8  }
0x87: {  	p0 =	sne.s32 s8, $0x15000;
	s8 =	sadd.s32 $0x1800, s8;
	_ =	swait.ge [sflag:s21], $0x2000  }
0x88: {  	[sflag:s21] =	ssyncset.done $0x0  }
0x89: {  	[sflag:s21] =	ssyncadd.s32 $0xFFFFE000  }
0x8a: {  	_ =	swait.ge [sflag:s21], $0x2000  }
0x8b: {  	[sflag:s21] =	ssyncset.done $0x0  }
0x8c: {  	[sflag:s21] =	ssyncadd.s32 $0xFFFFE000  }
0x8d: {  	_ =	swait.ge [sflag:s21], $0x2000  }
0x8e: {  	[sflag:s21] =	ssyncset.done $0x0  }
0x8f: {  	[sflag:s21] =	ssyncadd.s32 $0xFFFFE000  }
0x90: {  	_ =	swait.ge [sflag:s21], $0x2000  }
0x91: {  	[sflag:s21] =	ssyncset.done $0x0  }
0x92: {  	[sflag:s21] =	ssyncadd.s32 $0xFFFFE000  }
0x93: {  	[hbm4b:s11+s3] =	stream.linear.scatter [tilespmem:s24], [sflag:$0x5], $0x8000, $0x38;
	[tilespmem:$0x1E400] =	vst v63  }
0x94: {  	_ =	swait.ge [sflag:s25], $0x8000  }
0x95: {  	s15 =	sshra.s32 s15, $0x2;
	[sflag:s25] =	ssyncset.done $0x0  }
0x96: {  	s12 =	sadd.s32 $0x600, s15;
	[sflag:s25] =	ssyncadd.s32 $0xFFFF8000  }
0x97: {  	[tilespmem:s17], [sflag:$0x1] =	stream.indirect.gather [hbm4b:s4+s16], $0x40, s12, s16, $0xb8;
	[tilespmem:$0x1E400] =	vst v63  }
0x98: {  	s12 =	sadd.s32 $0x680, s15  }
0x99: {  	[tilespmem:s18], [sflag:$0x1] =	stream.indirect.gather [hbm4b:s4+s16], $0x40, s12, s16, $0xb8;
	[tilespmem:$0x1E400] =	vst v63  }
0x9a: {  	s12 =	sadd.s32 $0x700, s15  }
0x9b: {  	[tilespmem:s20], [sflag:$0x1] =	stream.indirect.gather [hbm4b:s4+s16], $0x40, s12, s16, $0xb8;
	[tilespmem:$0x1E400] =	vst v63  }
0x9c: {  	s12 =	sadd.s32 $0x780, s15  }
0x9d: {  	[tilespmem:s22], [sflag:$0x1] =	stream.indirect.gather [hbm4b:s4+s16], $0x40, s12, s16, $0xb8;
	[tilespmem:$0x1E400] =	vst v63  }
0x9e: {  	_ =	swait.ge [sflag:s30], $0x2000  }
0x9f: {  	[sflag:s30] =	ssyncset.done $0x0  }
0xa0: {  	[sflag:s30] =	ssyncadd.s32 $0xFFFFE000  }
0xa1: {  	_ =	swait.ge [sflag:s30], $0x2000  }
0xa2: {  	[sflag:s30] =	ssyncset.done $0x0  }
0xa3: {  	[sflag:s30] =	ssyncadd.s32 $0xFFFFE000  }
0xa4: {  	_ =	swait.ge [sflag:s30], $0x2000  }
0xa5: {  	[sflag:s30] =	ssyncset.done $0x0  }
0xa6: {  	[sflag:s30] =	ssyncadd.s32 $0xFFFFE000  }
0xa7: {  	_ =	swait.ge [sflag:s30], $0x2000  }
0xa8: {  	[sflag:s30] =	ssyncset.done $0x0  }
0xa9: {  	[sflag:s30] =	ssyncadd.s32 $0xFFFFE000  }
0xaa: {  	[hbm4b:s10+s3] =	stream.linear.scatter [tilespmem:s19], [sflag:$0x6], $0x8000, $0x38;
	[tilespmem:$0x1E400] =	vst v63  }
0xab: {  	_ =	swait.ge [sflag:s5], $0x8000  }
0xac: {  	[sflag:s5] =	ssyncset.done $0x0  }
0xad: {  	s12 =	sadd.s32 $0x800, s15;
	[sflag:s5] =	ssyncadd.s32 $0xFFFF8000  }
0xae: {  	[tilespmem:s24], [sflag:$0x2] =	stream.indirect.gather [hbm4b:s4+s16], $0x40, s12, s16, $0xb8;
	[tilespmem:$0x1E400] =	vst v63  }
0xaf: {  	s12 =	sadd.s32 $0x880, s15  }
0xb0: {  	[tilespmem:s26], [sflag:$0x2] =	stream.indirect.gather [hbm4b:s4+s16], $0x40, s12, s16, $0xb8;
	[tilespmem:$0x1E400] =	vst v63  }
0xb1: {  	s12 =	sadd.s32 $0x900, s15  }
0xb2: {  	[tilespmem:s29], [sflag:$0x2] =	stream.indirect.gather [hbm4b:s4+s16], $0x40, s12, s16, $0xb8;
	[tilespmem:$0x1E400] =	vst v63  }
0xb3: {  	s12 =	sadd.s32 $0x980, s15  }
0xb4: {  	[tilespmem:s31], [sflag:$0x2] =	stream.indirect.gather [hbm4b:s4+s16], $0x40, s12, s16, $0xb8;
	[tilespmem:$0x1E400] =	vst v63  }
0xb5: {  	_ =	swait.ge [sflag:s1], $0x2000  }
0xb6: {  	[sflag:s1] =	ssyncset.done $0x0  }
0xb7: {  	[sflag:s1] =	ssyncadd.s32 $0xFFFFE000  }
0xb8: {  	_ =	swait.ge [sflag:s1], $0x2000  }
0xb9: {  	[sflag:s1] =	ssyncset.done $0x0  }
0xba: {  	[sflag:s1] =	ssyncadd.s32 $0xFFFFE000  }
0xbb: {  	_ =	swait.ge [sflag:s1], $0x2000  }
0xbc: {  	[sflag:s1] =	ssyncset.done $0x0  }
0xbd: {  	[sflag:s1] =	ssyncadd.s32 $0xFFFFE000  }
0xbe: {  	_ =	swait.ge [sflag:s1], $0x2000  }
0xbf: {  	s12 =	sshrl.u32 s9, $0x3;
	[sflag:s1] =	ssyncset.done $0x0  }
0xc0: {  	s12 =	sadd.s32 s2, s12;
	[sflag:s1] =	ssyncadd.s32 $0xFFFFE000  }
0xc1: {  	[hbm4b:s12+s3] =	stream.linear.scatter [tilespmem:s17], [sflag:$0x4], $0x8000, $0x38;
	[tilespmem:$0x1E400] =	vst v63  }
0xc2: {  	_ =	swait.ge [sflag:s6], $0x8000  }
0xc3: {  	[sflag:s6] =	ssyncset.done $0x0  }
0xc4: {  	s12 =	sadd.s32 $0xA00, s15;
	[sflag:s6] =	ssyncadd.s32 $0xFFFF8000  }
0xc5: {  	[tilespmem:s19], [sflag:$0x3] =	stream.indirect.gather [hbm4b:s4+s16], $0x40, s12, s16, $0xb8;
	[tilespmem:$0x1E400] =	vst v63  }
.Ltmp0:
0xc6: {  	s12 =	sadd.s32 $0xA80, s15;
	(pc) =	sbr.rel @p0 .LBB2_2-.Ltmp0, $4  }
0xc7: {  	[tilespmem:s23], [sflag:$0x3] =	stream.indirect.gather [hbm4b:s4+s16], $0x40, s12, s16, $0xb8;
	[tilespmem:$0x1E400] =	vst v63  }
0xc8: {  	s9 =	sadd.s32 $0x18000, s9;
	s12 =	sadd.s32 $0xB00, s15  }
0xc9: {  	[tilespmem:s28], [sflag:$0x3] =	stream.indirect.gather [hbm4b:s4+s16], $0x40, s12, s16, $0xb8;
	[tilespmem:$0x1E400] =	vst v63  }
0xca: {  	s11 =	sadd.s32 $0x3000, s11;
	s10 =	sadd.s32 $0x3000, s10;
	s15 =	sadd.s32 $0xB80, s15  }
0xcb: {  	[tilespmem:s0], [sflag:$0x3] =	stream.indirect.gather [hbm4b:s4+s16], $0x40, s15, s16, $0xb8;
	[tilespmem:$0x1E400] =	vst v63  }
0xcc: {  	_ =	swait.ge [sflag:s21], $0x2000  }
0xcd: {  	[sflag:s21] =	ssyncset.done $0x0  }
0xce: {  	[sflag:s21] =	ssyncadd.s32 $0xFFFFE000  }
0xcf: {  	_ =	swait.ge [sflag:s21], $0x2000  }
0xd0: {  	[sflag:s21] =	ssyncset.done $0x0  }
0xd1: {  	[sflag:s21] =	ssyncadd.s32 $0xFFFFE000  }
0xd2: {  	_ =	swait.ge [sflag:s21], $0x2000  }
0xd3: {  	[sflag:s21] =	ssyncset.done $0x0  }
0xd4: {  	[sflag:s21] =	ssyncadd.s32 $0xFFFFE000  }
0xd5: {  	_ =	swait.ge [sflag:s21], $0x2000  }
0xd6: {  	[sflag:s21] =	ssyncset.done $0x0  }
0xd7: {  	s8 =	rddreg [dreg:$0x6];
	[sflag:s21] =	ssyncadd.s32 $0xFFFFE000  }
0xd8: {  	[hbm4b:s8+s3] =	stream.linear.scatter [tilespmem:s24], [sflag:$0x5], $0x8000, $0x38;
	[tilespmem:$0x1E400] =	vst v63  }
0xd9: {  	_ =	swait.ge [sflag:s25], $0x8000  }
0xda: {  	[sflag:s25] =	ssyncset.done $0x0  }
0xdb: {  	s12 =	simm.s32 $0x6000;
	[sflag:s25] =	ssyncadd.s32 $0xFFFF8000  }
0xdc: {  	[tilespmem:s17], [sflag:$0x1] =	stream.indirect.gather [hbm4b:s4+s16], $0x40, s12, s16, $0xb8;
	[tilespmem:$0x1E400] =	vst v63  }
0xdd: {  	s15 =	simm.s32 $0x6080  }
0xde: {  	[tilespmem:s18], [sflag:$0x1] =	stream.indirect.gather [hbm4b:s4+s16], $0x40, s15, s16, $0xb8;
	[tilespmem:$0x1E400] =	vst v63  }
0xdf: {  	s9 =	simm.s32 $0x6100  }
0xe0: {  	[tilespmem:s20], [sflag:$0x1] =	stream.indirect.gather [hbm4b:s4+s16], $0x40, s9, s16, $0xb8;
	[tilespmem:$0x1E400] =	vst v63  }
0xe1: {  	s10 =	simm.s32 $0x6180  }
0xe2: {  	[tilespmem:s22], [sflag:$0x1] =	stream.indirect.gather [hbm4b:s4+s16], $0x40, s10, s16, $0xb8;
	[tilespmem:$0x1E400] =	vst v63  }
0xe3: {  	_ =	swait.ge [sflag:s30], $0x2000  }
0xe4: {  	[sflag:s30] =	ssyncset.done $0x0  }
0xe5: {  	[sflag:s30] =	ssyncadd.s32 $0xFFFFE000  }
0xe6: {  	_ =	swait.ge [sflag:s30], $0x2000  }
0xe7: {  	[sflag:s30] =	ssyncset.done $0x0  }
0xe8: {  	[sflag:s30] =	ssyncadd.s32 $0xFFFFE000  }
0xe9: {  	_ =	swait.ge [sflag:s30], $0x2000  }
0xea: {  	[sflag:s30] =	ssyncset.done $0x0  }
0xeb: {  	[sflag:s30] =	ssyncadd.s32 $0xFFFFE000  }
0xec: {  	_ =	swait.ge [sflag:s30], $0x2000  }
0xed: {  	[sflag:s30] =	ssyncset.done $0x0  }
0xee: {  	s11 =	rddreg [dreg:$0x7];
	[sflag:s30] =	ssyncadd.s32 $0xFFFFE000  }
0xef: {  	[hbm4b:s11+s3] =	stream.linear.scatter [tilespmem:s19], [sflag:$0x6], $0x8000, $0x38;
	[tilespmem:$0x1E400] =	vst v63  }
0xf0: {  	_ =	swait.ge [sflag:s5], $0x8000  }
0xf1: {  	[sflag:s5] =	ssyncset.done $0x0  }
0xf2: {  	s12 =	simm.s32 $0x6200;
	[sflag:s5] =	ssyncadd.s32 $0xFFFF8000  }
0xf3: {  	[tilespmem:s24], [sflag:$0x2] =	stream.indirect.gather [hbm4b:s4+s16], $0x40, s12, s16, $0xb8;
	[tilespmem:$0x1E400] =	vst v63  }
0xf4: {  	s15 =	simm.s32 $0x6280  }
0xf5: {  	[tilespmem:s26], [sflag:$0x2] =	stream.indirect.gather [hbm4b:s4+s16], $0x40, s15, s16, $0xb8;
	[tilespmem:$0x1E400] =	vst v63  }
0xf6: {  	s9 =	simm.s32 $0x6300  }
0xf7: {  	[tilespmem:s29], [sflag:$0x2] =	stream.indirect.gather [hbm4b:s4+s16], $0x40, s9, s16, $0xb8;
	[tilespmem:$0x1E400] =	vst v63  }
0xf8: {  	s10 =	simm.s32 $0x6380  }
0xf9: {  	[tilespmem:s31], [sflag:$0x2] =	stream.indirect.gather [hbm4b:s4+s16], $0x40, s10, s16, $0xb8;
	[tilespmem:$0x1E400] =	vst v63  }
0xfa: {  	_ =	swait.ge [sflag:s1], $0x2000  }
0xfb: {  	[sflag:s1] =	ssyncset.done $0x0  }
0xfc: {  	[sflag:s1] =	ssyncadd.s32 $0xFFFFE000  }
0xfd: {  	_ =	swait.ge [sflag:s1], $0x2000  }
0xfe: {  	[sflag:s1] =	ssyncset.done $0x0  }
0xff: {  	[sflag:s1] =	ssyncadd.s32 $0xFFFFE000  }
0x100: {  	_ =	swait.ge [sflag:s1], $0x2000  }
0x101: {  	[sflag:s1] =	ssyncset.done $0x0  }
0x102: {  	[sflag:s1] =	ssyncadd.s32 $0xFFFFE000  }
0x103: {  	_ =	swait.ge [sflag:s1], $0x2000  }
0x104: {  	[sflag:s1] =	ssyncset.done $0x0  }
0x105: {  	s11 =	rddreg [dreg:$0x8];
	[sflag:s1] =	ssyncadd.s32 $0xFFFFE000  }
0x106: {  	[hbm4b:s11+s3] =	stream.linear.scatter [tilespmem:s17], [sflag:$0x4], $0x8000, $0x38;
	[tilespmem:$0x1E400] =	vst v63  }
0x107: {  	_ =	swait.ge [sflag:s6], $0x8000  }
0x108: {  	[sflag:s6] =	ssyncset.done $0x0  }
0x109: {  	[sflag:s6] =	ssyncadd.s32 $0xFFFF8000  }
0x10a: {  	_ =	swait.ge [sflag:s21], $0x2000  }
0x10b: {  	[sflag:s21] =	ssyncset.done $0x0  }
0x10c: {  	[sflag:s21] =	ssyncadd.s32 $0xFFFFE000  }
0x10d: {  	_ =	swait.ge [sflag:s21], $0x2000  }
0x10e: {  	[sflag:s21] =	ssyncset.done $0x0  }
0x10f: {  	[sflag:s21] =	ssyncadd.s32 $0xFFFFE000  }
0x110: {  	_ =	swait.ge [sflag:s21], $0x2000  }
0x111: {  	[sflag:s21] =	ssyncset.done $0x0  }
0x112: {  	[sflag:s21] =	ssyncadd.s32 $0xFFFFE000  }
0x113: {  	_ =	swait.ge [sflag:s21], $0x2000  }
0x114: {  	[sflag:s21] =	ssyncset.done $0x0  }
0x115: {  	s12 =	rddreg [dreg:$0x9];
	[sflag:s21] =	ssyncadd.s32 $0xFFFFE000  }
0x116: {  	[hbm4b:s12+s3] =	stream.linear.scatter [tilespmem:s24], [sflag:$0x5], $0x8000, $0x38;
	[tilespmem:$0x1E400] =	vst v63  }
0x117: {  	_ =	swait.ge [sflag:s25], $0x8000  }
0x118: {  	[sflag:s25] =	ssyncset.done $0x0  }
0x119: {  	[sflag:s25] =	ssyncadd.s32 $0xFFFF8000  }
0x11a: {  	_ =	swait.ge [sflag:s5], $0x8000  }
0x11b: {  	s7 =	sadd.s32 $0x1, s7;
	s15 =	rddreg [dreg:$0xa]  }
0x11c: {  	p0 =	sne.s32 s7, s15  }
.Ltmp1:
0x11d: {  	_ = 	snop;
	(pc) =	sbr.rel @p0 .LBB2_1-.Ltmp1, $3  }
0x11e: {  	_ =	sdelay $0x1  }
0x11f: {  	[sflag:s5] =	ssyncset.done $0x0  }
0x120: {  	[sflag:s5] =	ssyncadd.s32 $0xFFFF8000  }
0x121: {  	_ =	sfence.sel $0x180000  }
0x122: {  	[bflag:$0x0] =	sbarrier.arrive $0xFFFF  }
0x123: {  	_ =	strace $0x90000047  }
0x124: {  	s0 =	stileid.u32;
	[bflag:$0x2] =	sbarrier.arrive $0xFFFF  }
0x125: {  	p0 =	sne.s32 s0, $0x0;
	s0 =	rddreg [dreg:$0x3]  }
0x126: {  	s0 =	sadd.s32 @!p0 $0x100000, s0  }
0x127: {  	[sflag:s0] =	ssyncadd.tile.s32 @!p0 $0x1;
	_ =	shalt  }
.Lfunc_end2:
_tile_overlayer_lowered:
.L_overlay_start_2:
0x128: {  	(tag) =	ssettag $0x2  }
0x129: {  	s0 =	rddreg [dreg:$0x0];
	s2 =	stileid.u32  }
0x12a: {  	s1 =	rddreg [dreg:$0x1];
	p0 =	sne.s32 s2, $0x0  }
0x12b: {  	s3 =	rddreg [dreg:$0x2];
	[bflag:$0x3] =	sbarrier.arrive $0xFFFF;
	s2 =	simm.s32 @!p0 $0x1C07  }
0x12c: {  	[timem:s3], [sflag:s2] =	dma.local @!p0 [hbm:s0], s1  }
0x12d: {  	s0 =	simm.s32 @!p0 $0x7  }
0x12e: {  	_ =	swait.ge @!p0 [sflag:s0], s1  }
0x12f: {  	s1 =	ssub.s32 @!p0 $0x0, s1;
	[sflag:s0] =	ssyncset.done @!p0 $0x0  }
0x130: {  	[sflag:s0] =	ssyncadd.s32 @!p0 s1  }
0x131: {  	[bflag:$0x3] =	sbarrier.arrive $0xFFFF  }
0x132: {  	_ =	shalt  }

// kernel: sparse-core-data-format-call.cloned.1.call-start
scs
called_computation_lowered:
.L_overlay_start_0:
0x0: {  	s2 =	sld [smem:$0x3FD9]  }
0x1: {  	s3 =	sld [smem:$0x3FFE];
	_ =	sdelay $0x1  }
0x2: {  	s1 =	srdreg.scid  }
0x3: {  	s0 =	sand.u32 $0x1, s1  }
0x4: {  	s18 =	sshll.u32 s0, $0xA;
	s2 =	sadd.s32 s3, s2  }
0x5: {  	s2 =	sadd.s32 s2, s18  }
0x6: {  	[smem:$0x3FC6] =	sst s2  }
0x7: {  	_ = 	snop  }
0x8: {  	s2 =	sld [smem:$0x3FD0];
	(tm) =	ssettm $0x1  }
0x9: {  	s19 =	sld [smem:$0x3FFB];
	_ =	sdelay $0x3  }
0xa: {  	_ =	strace s19  }
0xb: {  	s3 =	sld [smem:$0x3FFC];
	_ =	sdelay $0x3  }
0xc: {  	_ =	strace s3  }
0xd: {  	s3 =	sld [smem:$0x3FFD];
	_ =	sdelay $0x3  }
0xe: {  	_ =	strace s3  }
0xf: {  	_ =	strace $0x8FFFFFFF  }
0x10: {  	s20 =	sld [smem:$0x3FDB];
	_ =	sdelay $0x1  }
0x11: {  	s4 =	simm.s32 $_scs_section_size  }
0x12: {  	s5 =	simm.s32 $_size__tile_overlayer_lowered;
	s6 =	simm.s32 $_tile_overlayer_lowered  }
0x13: {  	s23 =	simm.s32 $0x1BFF;
	s22 =	sshll.u32 s6, $0x1;
	s3 =	sadd.s32 s4, s20  }
0x14: {  	s7 =	simm.s32 $0x0;
	s21 =	sshll.u32 s5, $0x1;
	s5 =	sadd.s32 s22, s3  }
0x15: {  	[timem:s7], [sflag:s23] =	dma.local [hbm:s5], s21  }
0x16: {  	_ =	swait.ge [sflag:s23], s21  }
0x17: {  	s4 =	ssub.s32 $0x0, s21;
	[sflag:s23] =	ssyncset.done $0x0  }
0x18: {  	[sflag:s23] =	ssyncadd.s32 s4;
	_ =	sdelay $0x1  }
0x19: {  	s24 =	simm.s32 $0x1B8B  }
0x1a: {  	_ =	swait.ge [sflag:s24], $0x1  }
0x1b: {  	[sflag:s24] =	ssyncset.done $0x0  }
0x1c: {  	s26 =	simm.s32 $0x1B8E;
	s25 =	sld [smem:$0x3FFE];
	[sflag:s24] =	ssyncadd.s32 $0xFFFFFFFF  }
0x1d: {  	s27 =	simm.s32 $execute0_lowered;
	[smem:$0x3FD2] =	sst s26  }
0x1e: {  	s5 =	sshll.u32 s27, $0x1;
	_ =	strace $0x80000049;
	[dreg:$0x1] =	wrdreg $0xFFFFFFFF  }
0x1f: {  	s28 =	simm.s32 $_size_execute0_lowered;
	s3 =	sadd.s32 s3, s5;
	[dreg:$0x0] =	wrdreg $0x0  }
0x20: {  	s5 =	sshll.u32 s28, $0x1;
	[dreg:$0x2] =	wrdreg s3  }
0x21: {  	[dreg:$0x3] =	wrdreg s5  }
0x22: {  	[dreg:$0x4] =	wrdreg $0xC0  }
0x23: {  	_ =	task [dreg:s7], $0x5FFFF  }
0x24: {  	[dreg:$0x1] =	wrdreg $0xFFFFFFFF  }
0x25: {  	[dreg:$0x0] =	wrdreg $0x60  }
0x26: {  	[dreg:$0x2] =	wrdreg s25  }
0x27: {  	[dreg:$0x3] =	wrdreg s2  }
0x28: {  	[dreg:$0x4] =	wrdreg $0x9  }
0x29: {  	_ =	task.clear_ibuf [dreg:s7], $0x5FFFF;
	_ =	strace $0x90000049  }
0x2a: {  	s29 =	simm.s32 $0x9;
	_ =	strace $0x8000004B  }
0x2b: {  	_ =	swait.ge [sflag:s29], $0x1  }
0x2c: {  	[sflag:s29] =	ssyncadd.s32 $0xFFFFFFFF  }
0x2d: {  	_ =	strace $0x9000004B  }
0x2e: {  	_ =	sfence  }
0x2f: {  	s30 =	sld [smem:$0x0];
	_ =	sdelay $0x2  }
0x30: {  	s31 =	sshll.u32 s1, $0xD;
	s1 =	sshrl.u32 s1, $0x2  }
0x31: {  	s3 =	sand.u32 $0x4000, s31;
	s1 =	sadd.s32 s1, s30  }
0x32: {  	s0 =	sor.u32 s3, s0;
	s1 =	sshll.u32 s1, $0x11  }
0x33: {  	s0 =	sor.u32 s1, s0  }
0x34: {  	s0 =	sadd.s32 $0x8F2B, s0  }
0x35: {  	[sflag:s0] =	ssyncadd.remote.s32 $0x1  }
0x36: {  	_ =	sfence.sel $0xFFFF  }
0x37: {  	[dreg:$0x0] =	wrdreg $0xFFFFFFFF;
	(pc) =	sbr.abs _section_cstart, $3  }
0x38: {  	[dreg:$0x1] =	wrdreg $0xFFFFFFFF  }
0x39: {  	_ =	task.clear_ibuf [dreg:s7], $0x2FFFF;
	_ =	strace $0x9FFFFFFF  }
0x3a: {  	(tm) =	ssettm $0x7FFFFFFF  }
0x3b: {  	_ =	shalt  }
tec
execute0_lowered:
.L_overlay_start_1:
0x0: {  	(tag) =	ssettag $0x1  }
0x1: {  	s0 =	srdreg.scid  }
0x2: {  	s1 =	sshll.u32 s0, $0x4  }
0x3: {  	s4 =	rddreg [dreg:$0x0];
	s0 =	stileid.u32;
	s1 =	sand.u32 $0x10, s1  }
0x4: {  	s2 =	rddreg [dreg:$0x1];
	s7 =	simm.s32 $0x1;
	s1 =	sor.u32 s0, s1  }
0x5: {  	s8 =	simm.s32 $0x2;
	s11 =	simm.s32 $0x0;
	s3 =	sshll.u32 s1, $0x7  }
0x6: {  	s10 =	simm.s32 $0x0;
	s4 =	sadd.s32 $0x800, s4;
	s6 =	ssub.s32 $0xC8000, s3  }
.Ltmp0:
0x7: {  	s1 =	rddreg [dreg:$0x2];
	s5 =	sand.u32 $0xF80, s6;
	(pc) =	sbr.rel .LBB1_1-.Ltmp0, $4  }
0x8: {  	_ =	strace $0x8000004A;
	s9 =	smov.u32 s3;
	p0 =	sne.s32 s5, $0x0  }
0x9: {  	s6 =	sshrl.u32 s6, $0xC;
	s5 =	simm.s32 $0x1;
	s7 =	simm.s32 @!p0 $0x0  }
0xa: {  	[sflag:s5] =	ssyncpa.u1 $0x0;
	p0 =	por $0x0, $0x0;
	s6 =	sadd.s32 s7, s6  }
0xb: {  	[sflag:s8] =	ssyncpa.u1 $0x0;
	s8 =	simm.s32 $0x640000;
	s7 =	sadd.s32 $0x1, s6  }
.LBB1_4:
0xc: {  	s14 =	sshll.u32 s11, $0x3  }
0xd: {  	s30 =	sand.u32 $0x7F, s11;
	s15 =	sand.u32 $0xFFFFFC00, s14  }
0xe: {  	s11 =	sor.u32 s30, s15  }
0xf: {  	s15 =	smulhi.u32 $0x51EB851F, s11  }
0x10: {  	s14 =	smulhi.u32 $0x51EB851F, s14  }
0x11: {  	s15 =	sshrl.u32 s15, $0x12  }
0x12: {  	s14 =	sshrl.u32 s14, $0x12;
	s15 =	smul.u32 $0xC8000, s15  }
0x13: {  	s14 =	sand.u32 $0x3F, s14  }
0x14: {  	s14 =	smul.u32 $0x19000, s14;
	s11 =	ssub.s32 s11, s15  }
0x15: {  	[tilespmem:s13+$0x810 ss:$0x81] =	vst.msk $0xffff, v2;
	s15 =	sand.u32 $0x7, s11  }
0x16: {  	[tilespmem:s13+$0x1020 ss:$0x81] =	vst.msk $0xffff, v0;
	s14 =	sadd.s32 s2, s14;
	s11 =	sshrl.u32 s11, $0x3;
	s15 =	sshll.u32 s15, $0x12  }
0x17: {  	[tilespmem:s13+$0x0 ss:$0x81] =	vst.msk $0xffff, v1;
	s11 =	sadd.s32 s11, s14;
	s31 =	sor.u32 $0x400, s15  }
0x18: {  	[hbm4b:s11+s31] =	stream.strided.scatter [tilespmem:s12], [sflag:$0x2], $0x2000, s8, s31, $0x20;
	[tilespmem:$0x8080] =	vst v63  }
.LBB1_5:
0x19: {  	s13 =	sadd.s32 $0x1000, s9  }
0x1a: {  	p2 =	sgt.s32 s13, $0xC7FFF  }
0x1b: {  	s13 =	smov.u32 @p2 s3;
	p2 =	sne.s32 s10, s7  }
.Ltmp1:
0x1c: {  	p1 =	slt.u32 s10, $0x2;
	(pc) =	sbr.rel @!p2 .LBB1_6-.Ltmp1, $4  }
0x1d: {  	s12 =	simm.s32 @!p1 $0x2  }
0x1e: {  	s14 =	sadd.s32 $0x1, s10;
	_ =	swait.ge @!p1 [sflag:s12], $0x2000  }
0x1f: {  	s11 =	smov.u32 s9;
	p0 =	por !p0, !p0;
	[sflag:s12] =	ssyncset.done @!p1 $0x0  }
0x20: {  	s10 =	smov.u32 s14;
	s9 =	smov.u32 s13;
	[sflag:s12] =	ssyncadd.s32 @!p1 $0xFFFFE000  }
.LBB1_1:
0x21: {  	p1 =	sge.u32 s10, s6  }
0x22: {  	s12 =	sand.u32 @!p1 $0x1FFFFFF, s9  }
0x23: {  	s13 =	smulhi.u32 @!p1 $0x147AE15, s12;
	_ =	sdelay $0x1  }
0x24: {  	s13 =	sshrl.u32 @!p1 s13, $0xC  }
0x25: {  	s13 =	smul.u32 @!p1 $0xC8000, s13;
	_ =	sdelay $0x1  }
0x26: {  	s31 =	sadd.s32 $0xFFFFFFFF, s10;
	s14 =	sxor.u32 @!p1 $0xFFFFFFFF, s10;
	s12 =	ssub.s32 @!p1 s12, s13  }
0x27: {  	s15 =	simm.s32 @!p1 $0x80;
	s14 =	sshll.u32 @!p1 s14, $0xD;
	s12 =	sshll.u32 @!p1 s12, $0x4  }
0x28: {  	s13 =	sand.u32 @!p1 $0x2000, s14;
	s14 =	simm.s32 @!p1 $0x40;
	s12 =	sadd.s32 @!p1 s4, s12  }
0x29: {  	[tilespmem:s13], [sflag:$0x1] =	stream.strided.gather @!p1 [hbm4b:s12+s14], $0x2000, s15, s14, $0x38;
	[tilespmem:$0x8080] =	vst v63  }
0x2a: {  	p1 =	sge.u32 s31, s6  }
.Ltmp2:
0x2b: {  	_ = 	snop;
	(pc) =	sbr.rel @p1 .LBB1_5-.Ltmp2, $1  }
0x2c: {  	_ =	sdelay $0x3  }
0x2d: {  	s12 =	simm.s32 $0x1  }
0x2e: {  	_ =	swait.ge [sflag:s5], $0x2000;
	s12 =	simm.s32 @!p0 $0x0  }
0x2f: {  	[sflag:s5] =	ssyncset.done $0x0;
	s13 =	sshll.u32 s12, $0xD  }
0x30: {  	[sflag:s5] =	ssyncadd.s32 $0xFFFFE000;
	s16 =	sor.u32 $0x20, s13  }
0x31: {  	s12 =	smul.u32 $0x8100, s12;
	v3 =	vld [tilespmem:s16+$0x10]  }
0x32: {  	s30 =	sand.u32 $0x1, s10;
	v2 =	vld [tilespmem:s16+$0xFFFFFFF0]  }
0x33: {  	s13 =	smul.u32 $0x8100, s30;
	s12 =	sshrl.u32 s12, $0x2;
	v0 =	vld [tilespmem:s16+$0x0]  }
0x34: {  	v1 =	vld [tilespmem:s16+$0xFFFFFFE0];
	s14 =	sor.u32 $0x4000, s12  }
0x35: {  	s31 =	sshrl.u32 s13, $0x2;
	s13 =	sadd.s32 $0x0, s14  }
0x36: {  	s15 =	simm.s32 $0x4;
	s16 =	sadd.s32 $0x40, s16;
	s12 =	sor.u32 $0x4000, s31;
	[tilespmem:s13+$0x1830 ss:$0x81] =	vst.msk $0xffff, v3  }
.LBB1_3:
0x37: {  	v3 =	vld [tilespmem:s16+$0x10];
	p1 =	sne.s32 s15, $0x1FC;
	[tilespmem:s13+$0x810 ss:$0x81] =	vst.msk $0xffff, v2;
	s17 =	smov.u32 s15;
	s15 =	sadd.s32 $0x4, s15  }
.Ltmp3:
0x38: {  	v2 =	vld [tilespmem:s16+$0xFFFFFFF0];
	[tilespmem:s13+$0x1020 ss:$0x81] =	vst.msk $0xffff, v0;
	(pc) =	sbr.rel @p1 .LBB1_3-.Ltmp3, $4  }
0x39: {  	v0 =	vld [tilespmem:s16+$0x0];
	[tilespmem:s13+$0x0 ss:$0x81] =	vst.msk $0xffff, v1  }
0x3a: {  	s13 =	sshra.s32 s17, $0x2;
	v1 =	vld [tilespmem:s16+$0xFFFFFFE0]  }
0x3b: {  	s13 =	sadd.s32 s13, s14  }
0x3c: {  	s16 =	sadd.s32 $0x40, s16;
	[tilespmem:s13+$0x1830 ss:$0x81] =	vst.msk $0xffff, v3  }
.Ltmp4:
0x3d: {  	_ = 	snop;
	(pc) =	sbr.rel .LBB1_4-.Ltmp4, $1  }
0x3e: {  	_ =	sdelay $0x3  }
.LBB1_6:
0x3f: {  	_ =	sfence.sel $0x180000  }
0x40: {  	s2 =	simm.s32 $0x1;
	[bflag:$0x0] =	sbarrier.arrive $0xFFFF  }
0x41: {  	s31 =	simm.s32 $0x2;
	[sflag:s2] =	ssyncpa.u1 $0x1  }
0x42: {  	[sflag:s31] =	ssyncpa.u1 $0x1  }
0x43: {  	p0 =	sne.s32 s0, $0x0;
	_ =	strace $0x9000004A  }
0x44: {  	s0 =	sadd.s32 @!p0 $0x100000, s1;
	[bflag:$0x2] =	sbarrier.arrive $0xFFFF  }
0x45: {  	[sflag:s0] =	ssyncadd.tile.s32 @!p0 $0x1;
	_ =	shalt  }
.Lfunc_end1:
_tile_overlayer_lowered:
.L_overlay_start_2:
0x46: {  	(tag) =	ssettag $0x2  }
0x47: {  	s0 =	rddreg [dreg:$0x0];
	s2 =	stileid.u32  }
0x48: {  	s1 =	rddreg [dreg:$0x1];
	p0 =	sne.s32 s2, $0x0  }
0x49: {  	s3 =	rddreg [dreg:$0x2];
	[bflag:$0x3] =	sbarrier.arrive $0xFFFF;
	s2 =	simm.s32 @!p0 $0x1C01  }
0x4a: {  	[timem:s3], [sflag:s2] =	dma.local @!p0 [hbm:s0], s1  }
0x4b: {  	s0 =	simm.s32 @!p0 $0x1  }
0x4c: {  	_ =	swait.ge @!p0 [sflag:s0], s1  }
0x4d: {  	s1 =	ssub.s32 @!p0 $0x0, s1;
	[sflag:s0] =	ssyncset.done @!p0 $0x0  }
0x4e: {  	[sflag:s0] =	ssyncadd.s32 @!p0 s1  }
0x4f: {  	[bflag:$0x3] =	sbarrier.arrive $0xFFFF  }
0x50: {  	_ =	shalt  }

</sc_bundles>
